<compile_context>
chip_gen: v7x
topology: tpu7x:2x2x1
jax: 0.10.2.dev20260603
libtpu: 0.0.44.dev20260713+nightly
codegen_flags: <defaults>
</compile_context>

<pallas_src>
import functools

import jax
import jax.numpy as jnp
from jax import lax
from jax.experimental import pallas as pl
from jax.experimental.pallas import tpu as pltpu
from jax.experimental.pallas import tpu_sc as plsc

N_NODES = 10000
N_EDGES = 320000
D = 128
N_GRAPHS = 64
D_OUT = 10

NC = 2
NS = 16
NW = NC * NS

N_PAD = 10240
ROWS_PER_TILE = N_PAD // NS
E_PER_TILE = N_EDGES // NW
CHUNK = 80
N_CHUNKS = E_PER_TILE // CHUNK

BLK = 640
GRID = N_PAD // BLK

_sc_mesh = plsc.VectorSubcoreMesh(
    core_axis_name="c", subcore_axis_name="s", num_cores=NC, num_subcores=NS)



def _deg_body(dst_hbm, zeros_hbm, out_hbm, didx_v, ones_v, deg_sh, sem):
    c = lax.axis_index("c")
    s = lax.axis_index("s")
    wid = s * NC + c
    base = wid * E_PER_TILE

    for k in range(CHUNK // 16):
        ones_v[pl.ds(k * 16, 16)] = jnp.ones((16,), jnp.float32)

    pltpu.sync_copy(zeros_hbm, deg_sh.at[pl.ds(s * ROWS_PER_TILE, ROWS_PER_TILE)])
    plsc.subcore_barrier()

    def body(i, carry):
        off = base + i * CHUNK
        pltpu.sync_copy(dst_hbm.at[pl.ds(off, CHUNK)], didx_v)
        pltpu.sync_copy(ones_v, deg_sh.at[didx_v], add=True)
        return carry

    lax.fori_loop(0, N_CHUNKS, body, 0)
    plsc.subcore_barrier()
    pltpu.sync_copy(deg_sh.at[pl.ds(s * ROWS_PER_TILE, ROWS_PER_TILE)],
                    out_hbm.at[c, pl.ds(s * ROWS_PER_TILE, ROWS_PER_TILE)])


_deg = pl.kernel(
    _deg_body,
    out_type=jax.ShapeDtypeStruct((NC, N_PAD), jnp.float32),
    mesh=_sc_mesh,
    scratch_types=[
        pltpu.VMEM((CHUNK,), jnp.int32),
        pltpu.VMEM((CHUNK,), jnp.float32),
        pltpu.VMEM_SHARED((N_PAD,), jnp.float32),
        pltpu.SemaphoreType.DMA,
    ],
)


def _spmm_body(h_hbm, src_hbm, dst_hbm, zeros_hbm, out_hbm,
               sidx_v, didx_v, rows_v, acc_sh, sem):
    c = lax.axis_index("c")
    s = lax.axis_index("s")
    wid = s * NC + c
    base = wid * E_PER_TILE

    pltpu.sync_copy(zeros_hbm, acc_sh.at[pl.ds(s * ROWS_PER_TILE, ROWS_PER_TILE)])
    plsc.subcore_barrier()

    def body(i, carry):
        off = base + i * CHUNK
        pltpu.sync_copy(src_hbm.at[pl.ds(off, CHUNK)], sidx_v)
        pltpu.sync_copy(dst_hbm.at[pl.ds(off, CHUNK)], didx_v)
        pltpu.async_copy(h_hbm.at[sidx_v], rows_v, sem).wait()
        pltpu.sync_copy(rows_v, acc_sh.at[didx_v], add=True)
        return carry

    lax.fori_loop(0, N_CHUNKS, body, 0)
    plsc.subcore_barrier()
    pltpu.sync_copy(acc_sh.at[pl.ds(s * ROWS_PER_TILE, ROWS_PER_TILE)],
                    out_hbm.at[c, pl.ds(s * ROWS_PER_TILE, ROWS_PER_TILE)])


_spmm = pl.kernel(
    _spmm_body,
    out_type=jax.ShapeDtypeStruct((NC, N_PAD, D), jnp.float32),
    mesh=_sc_mesh,
    scratch_types=[
        pltpu.VMEM((CHUNK,), jnp.int32),
        pltpu.VMEM((CHUNK,), jnp.int32),
        pltpu.VMEM((CHUNK, D), jnp.float32),
        pltpu.VMEM_SHARED((N_PAD, D), jnp.float32),
        pltpu.SemaphoreType.DMA,
    ],
)



def _first_body(x_ref, w_ref, deg_ref, hp_ref, dinv_ref):
    deg = deg_ref[0] + deg_ref[1] + 1.0
    dinv = lax.rsqrt(deg)
    h = jnp.dot(x_ref[...], w_ref[...], preferred_element_type=jnp.float32)
    hp_ref[...] = h * dinv
    dinv_ref[...] = dinv


_k_first = pl.pallas_call(
    _first_body,
    grid=(GRID,),
    in_specs=[
        pl.BlockSpec((BLK, D), lambda i: (i, 0)),
        pl.BlockSpec((D, D), lambda i: (0, 0)),
        pl.BlockSpec((NC, BLK, 1), lambda i: (0, i, 0)),
    ],
    out_specs=[
        pl.BlockSpec((BLK, D), lambda i: (i, 0)),
        pl.BlockSpec((BLK, 1), lambda i: (i, 0)),
    ],
    out_shape=[
        jax.ShapeDtypeStruct((N_PAD, D), jnp.float32),
        jax.ShapeDtypeStruct((N_PAD, 1), jnp.float32),
    ],
)


def _mid_body(acc_ref, hp_ref, dinv_ref, b_ref, w_ref, out_ref):
    dinv = dinv_ref[...]
    tot = acc_ref[0] + acc_ref[1] + hp_ref[...]
    h = jnp.maximum(dinv * tot + b_ref[...], 0.0)
    out_ref[...] = jnp.dot(h, w_ref[...], preferred_element_type=jnp.float32) * dinv


_k_mid = pl.pallas_call(
    _mid_body,
    grid=(GRID,),
    in_specs=[
        pl.BlockSpec((NC, BLK, D), lambda i: (0, i, 0)),
        pl.BlockSpec((BLK, D), lambda i: (i, 0)),
        pl.BlockSpec((BLK, 1), lambda i: (i, 0)),
        pl.BlockSpec((1, D), lambda i: (0, 0)),
        pl.BlockSpec((D, D), lambda i: (0, 0)),
    ],
    out_specs=pl.BlockSpec((BLK, D), lambda i: (i, 0)),
    out_shape=jax.ShapeDtypeStruct((N_PAD, D), jnp.float32),
)


def _final_body(acc_ref, hp_ref, dinv_ref, b_ref, batch_ref, wl_ref, bl_ref,
                out_ref, pools, counts):
    i = pl.program_id(0)

    @pl.when(i == 0)
    def _():
        pools[...] = jnp.zeros_like(pools)
        counts[...] = jnp.zeros_like(counts)

    dinv = dinv_ref[...]
    h3 = dinv * (acc_ref[0] + acc_ref[1] + hp_ref[...]) + b_ref[...]
    bb = batch_ref[0]
    gids = lax.broadcasted_iota(jnp.int32, (BLK, N_GRAPHS), 1)
    oh = (bb == gids).astype(jnp.float32)
    dn = (((0,), (0,)), ((), ()))
    pools[...] += lax.dot_general(oh, h3, dn, preferred_element_type=jnp.float32)
    ones = jnp.ones((BLK, 1), jnp.float32)
    counts[...] += lax.dot_general(oh, ones, dn, preferred_element_type=jnp.float32)

    @pl.when(i == GRID - 1)
    def _():
        g = pools[...] / jnp.maximum(counts[...], 1.0)
        logits = jnp.dot(g, wl_ref[...], preferred_element_type=jnp.float32) + bl_ref[...]
        m = jnp.max(logits, axis=1, keepdims=True)
        z = logits - m
        lse = jnp.log(jnp.sum(jnp.exp(z), axis=1, keepdims=True))
        out_ref[...] = z - lse


_k_final = pl.pallas_call(
    _final_body,
    grid=(GRID,),
    in_specs=[
        pl.BlockSpec((NC, BLK, D), lambda i: (0, i, 0)),
        pl.BlockSpec((BLK, D), lambda i: (i, 0)),
        pl.BlockSpec((BLK, 1), lambda i: (i, 0)),
        pl.BlockSpec((1, D), lambda i: (0, 0)),
        pl.BlockSpec((1, BLK, 1), lambda i: (i, 0, 0)),
        pl.BlockSpec((D, D_OUT), lambda i: (0, 0)),
        pl.BlockSpec((1, D_OUT), lambda i: (0, 0)),
    ],
    out_specs=pl.BlockSpec((N_GRAPHS, D_OUT), lambda i: (0, 0)),
    out_shape=jax.ShapeDtypeStruct((N_GRAPHS, D_OUT), jnp.float32),
    scratch_shapes=[
        pltpu.VMEM((N_GRAPHS, D), jnp.float32),
        pltpu.VMEM((N_GRAPHS, 1), jnp.float32),
    ],
)



@jax.jit
def kernel(x, edge_index, batch, W1, b1, W2, b2, W3, b3, Wl, bl):
    src = edge_index[0].astype(jnp.int32)
    dst = edge_index[1].astype(jnp.int32)

    x_pad = jnp.pad(x.astype(jnp.float32), ((0, N_PAD - N_NODES), (0, 0)))
    batch_pad = jnp.concatenate(
        [batch.astype(jnp.int32),
         jnp.full((N_PAD - N_NODES,), -1, jnp.int32)]).reshape(GRID, BLK, 1)

    zeros_row = jnp.zeros((ROWS_PER_TILE,), jnp.float32)
    zeros_nd = jnp.zeros((ROWS_PER_TILE, D), jnp.float32)

    deg = _deg(dst, zeros_row)
    deg3 = deg.reshape(NC, N_PAD, 1)

    hp1, dinv = _k_first(x_pad, W1, deg3)
    acc1 = _spmm(hp1, src, dst, zeros_nd)
    hp2 = _k_mid(acc1, hp1, dinv, b1.reshape(1, D), W2)
    acc2 = _spmm(hp2, src, dst, zeros_nd)
    hp3 = _k_mid(acc2, hp2, dinv, b2.reshape(1, D), W3)
    acc3 = _spmm(hp3, src, dst, zeros_nd)
    out = _k_final(acc3, hp3, dinv, b3.reshape(1, D), batch_pad,
                   Wl, bl.reshape(1, D_OUT))
    return out

# --- scband reference (transcript-rebuilt; emitter-appended) ---
"""Pipeline reference for scband-graph-sage-1666447311245 (READ-ONLY COPY).

The authoritative reference and input builder live on the scoring server;
editing this copy changes nothing except your own understanding.
"""

import jax, jax.numpy as jnp
import numpy as np

N_NODES = 10000
N_EDGES = 320000
D_IN = 128
D_H = 128
D_OUT = 10
N_GRAPHS = 64


def setup_inputs(seed: int = 0) -> dict:
    key = jax.random.key(seed)
    ks = jax.random.split(key, 12)
    x = jax.random.normal(ks[0], (N_NODES, D_IN), dtype=jnp.float32)
    edge_index = jax.random.randint(ks[1], (2, N_EDGES), 0, N_NODES, dtype=jnp.int64)
    batch = jnp.sort(jax.random.randint(ks[2], (N_NODES,), 0, N_GRAPHS, dtype=jnp.int64))
    def glorot(k, fan_in, fan_out):
        lim = jnp.sqrt(6.0 / (fan_in + fan_out))
        return jax.random.uniform(k, (fan_in, fan_out), dtype=jnp.float32, minval=-lim, maxval=lim)
    W1 = glorot(ks[3], D_IN, D_H)
    b1 = jnp.zeros((D_H,), dtype=jnp.float32)
    W2 = glorot(ks[4], D_H, D_H)
    b2 = jnp.zeros((D_H,), dtype=jnp.float32)
    W3 = glorot(ks[5], D_H, D_H)
    b3 = jnp.zeros((D_H,), dtype=jnp.float32)
    Wl = glorot(ks[6], D_H, D_OUT)
    bl = jnp.zeros((D_OUT,), dtype=jnp.float32)
    return {"x": x, "edge_index": edge_index, "batch": batch,
            "W1": W1, "b1": b1, "W2": W2, "b2": b2, "W3": W3, "b3": b3,
            "Wl": Wl, "bl": bl}


def _gcn_conv(x, edge_index, W, b, num_nodes):
    # GCNConv: x' = D^{-1/2} (A + I) D^{-1/2} (x W) + b
    loop = jnp.arange(num_nodes, dtype=edge_index.dtype)
    src = jnp.concatenate([edge_index[0], loop])
    dst = jnp.concatenate([edge_index[1], loop])
    h = x @ W
    deg = jnp.zeros((num_nodes,), dtype=h.dtype).at[dst].add(1.0)
    dinv = jax.lax.rsqrt(jnp.maximum(deg, 1.0))
    norm = dinv[src] * dinv[dst]
    msg = h[src] * norm[:, None]
    out = jnp.zeros_like(h).at[dst].add(msg)
    return out + b


def _global_mean_pool(x, batch, num_graphs):
    sums = jax.ops.segment_sum(x, batch, num_segments=num_graphs)
    counts = jax.ops.segment_sum(jnp.ones((x.shape[0],), dtype=x.dtype), batch, num_segments=num_graphs)
    return sums / jnp.maximum(counts, 1.0)[:, None]


def reference(x, edge_index, batch, W1, b1, W2, b2, W3, b3, Wl, bl):
    # eval mode: dropout is identity
    h = _gcn_conv(x, edge_index, W1, b1, N_NODES)
    h = jax.nn.relu(h)
    h = _gcn_conv(h, edge_index, W2, b2, N_NODES)
    h = jax.nn.relu(h)
    h = _gcn_conv(h, edge_index, W3, b3, N_NODES)
    g = _global_mean_pool(h, batch, N_GRAPHS)
    logits = g @ Wl + bl
    return jax.nn.log_softmax(logits, axis=1)

if __name__ == "__main__":
    import jax
    _d = setup_inputs()
    print(jax.jit(kernel)(*tuple(_d.values())))

</pallas_src>

<mosaic_0001>
#map = affine_map<(d0, d1) -> (0)>
#map1 = affine_map<(d0, d1) -> (0, 0)>
module attributes {stable_mosaic.version = 14 : i64} {
  func.func @_deg_body(%arg0: i32, %arg1: i32, %arg2: memref<320000xi32, #tpu.memory_space<hbm>>, %arg3: memref<640xf32, #tpu.memory_space<hbm>>, %arg4: memref<2x10240xf32, #tpu.memory_space<hbm>>, %arg5: memref<80xi32, #tpu.memory_space<vmem>>, %arg6: memref<80xf32, #tpu.memory_space<vmem>>, %arg7: memref<10240xf32, #tpu.memory_space<vmem_shared>>, %arg8: memref<!tpu.dma_semaphore, #tpu.memory_space<semaphore_mem>>) attributes {dimension_semantics = [#tpu.dimension_semantics<core_parallel>, #tpu.dimension_semantics<subcore_parallel>], iteration_bounds = array<i64: 2, 16>, scalar_prefetch = 0 : i64, scratch_operands = 4 : i64, tpu.core_type = #tpu.core_type<sc_vector_subcore>, window_params = [{transform_indices = #map}, {transform_indices = #map}, {transform_indices = #map1}]} {
    %mul3A = arith.constant 2 : i32
    %mul3A_0 = arith.muli %arg1, %mul3A : i32
    %add3A = arith.addi %mul3A_0, %arg0 : i32
    %mul3A_1 = arith.constant 10000 : i32
    %mul3A_2 = arith.muli %add3A, %mul3A_1 : i32
    %broadcast_in_dim3A = arith.constant 1.000000e+00 : f32
    %broadcast_in_dim3A_3 = vector.broadcast %broadcast_in_dim3A : f32 to vector<16xf32>
    %swap3A = arith.constant 0 : index
    %swap3A_4 = tpu.vector_load %arg6[%swap3A] {strides = array<i32>} : memref<80xf32, #tpu.memory_space<vmem>>, vector<16xf32>,
    %swap3A_5 = vector.shape_cast %swap3A_4 : vector<16xf32> to vector<16xf32>
    %swap3A_6 = vector.shape_cast %broadcast_in_dim3A_3 : vector<16xf32> to vector<16xf32>
    tpu.vector_store %arg6[%swap3A], %swap3A_6 {strides = array<i32>} : memref<80xf32, #tpu.memory_space<vmem>>, vector<16xf32>,
    %broadcast_in_dim3A_7 = arith.constant 1.000000e+00 : f32
    %broadcast_in_dim3A_8 = vector.broadcast %broadcast_in_dim3A_7 : f32 to vector<16xf32>
    %swap3A_9 = arith.constant 16 : index
    %swap3A_10 = tpu.vector_load %arg6[%swap3A_9] {strides = array<i32>} : memref<80xf32, #tpu.memory_space<vmem>>, vector<16xf32>,
    %swap3A_11 = vector.shape_cast %swap3A_10 : vector<16xf32> to vector<16xf32>
    %swap3A_12 = vector.shape_cast %broadcast_in_dim3A_8 : vector<16xf32> to vector<16xf32>
    tpu.vector_store %arg6[%swap3A_9], %swap3A_12 {strides = array<i32>} : memref<80xf32, #tpu.memory_space<vmem>>, vector<16xf32>,
    %broadcast_in_dim3A_13 = arith.constant 1.000000e+00 : f32
    %broadcast_in_dim3A_14 = vector.broadcast %broadcast_in_dim3A_13 : f32 to vector<16xf32>
    %swap3A_15 = arith.constant 32 : index
    %swap3A_16 = tpu.vector_load %arg6[%swap3A_15] {strides = array<i32>} : memref<80xf32, #tpu.memory_space<vmem>>, vector<16xf32>,
    %swap3A_17 = vector.shape_cast %swap3A_16 : vector<16xf32> to vector<16xf32>
    %swap3A_18 = vector.shape_cast %broadcast_in_dim3A_14 : vector<16xf32> to vector<16xf32>
    tpu.vector_store %arg6[%swap3A_15], %swap3A_18 {strides = array<i32>} : memref<80xf32, #tpu.memory_space<vmem>>, vector<16xf32>,
    %broadcast_in_dim3A_19 = arith.constant 1.000000e+00 : f32
    %broadcast_in_dim3A_20 = vector.broadcast %broadcast_in_dim3A_19 : f32 to vector<16xf32>
    %swap3A_21 = arith.constant 48 : index
    %swap3A_22 = tpu.vector_load %arg6[%swap3A_21] {strides = array<i32>} : memref<80xf32, #tpu.memory_space<vmem>>, vector<16xf32>,
    %swap3A_23 = vector.shape_cast %swap3A_22 : vector<16xf32> to vector<16xf32>
    %swap3A_24 = vector.shape_cast %broadcast_in_dim3A_20 : vector<16xf32> to vector<16xf32>
    tpu.vector_store %arg6[%swap3A_21], %swap3A_24 {strides = array<i32>} : memref<80xf32, #tpu.memory_space<vmem>>, vector<16xf32>,
    %broadcast_in_dim3A_25 = arith.constant 1.000000e+00 : f32
    %broadcast_in_dim3A_26 = vector.broadcast %broadcast_in_dim3A_25 : f32 to vector<16xf32>
    %swap3A_27 = arith.constant 64 : index
    %swap3A_28 = tpu.vector_load %arg6[%swap3A_27] {strides = array<i32>} : memref<80xf32, #tpu.memory_space<vmem>>, vector<16xf32>,
    %swap3A_29 = vector.shape_cast %swap3A_28 : vector<16xf32> to vector<16xf32>
    %swap3A_30 = vector.shape_cast %broadcast_in_dim3A_26 : vector<16xf32> to vector<16xf32>
    tpu.vector_store %arg6[%swap3A_27], %swap3A_30 {strides = array<i32>} : memref<80xf32, #tpu.memory_space<vmem>>, vector<16xf32>,
    %mul3A_31 = arith.constant 640 : i32
    %mul3A_32 = arith.muli %arg1, %mul3A_31 : i32
    "tpu.region"() ({
      %run_scoped3A = tpu.sem_alloc : memref<!tpu.dma_semaphore, #tpu.memory_space<semaphore_mem>>
      %dma_start3A = tpu.memref_slice %arg7[%mul3A_32] : memref<10240xf32, #tpu.memory_space<vmem_shared>> -> memref<640xf32, #tpu.memory_space<vmem_shared>>
      tpu.enqueue_dma source(%arg3 : memref<640xf32, #tpu.memory_space<hbm>>) target(%dma_start3A : memref<640xf32, #tpu.memory_space<vmem_shared>>) target_semaphore(%run_scoped3A : memref<!tpu.dma_semaphore, #tpu.memory_space<semaphore_mem>>)
      %dma_wait3A = tpu.memref_slice %arg7[%mul3A_32] : memref<10240xf32, #tpu.memory_space<vmem_shared>> -> memref<640xf32, #tpu.memory_space<vmem_shared>>
      tpu.wait_dma2 semaphore(%run_scoped3A : memref<!tpu.dma_semaphore, #tpu.memory_space<semaphore_mem>>) src(%arg3 : memref<640xf32, #tpu.memory_space<hbm>>) dst(%dma_wait3A : memref<640xf32, #tpu.memory_space<vmem_shared>>)
      tpu.yield
    }) : () -> ()
    %barrier3A = arith.constant 0 : index
    tpu.barrier barrier_id(%barrier3A)
    %scan3A = arith.constant 0 : i32
    %scan3A_33 = arith.constant 0 : i32
    %scan3A_34 = arith.constant 125 : i32
    %scan3A_35 = arith.addi %scan3A_33, %scan3A_34 : i32
    %scan3A_36 = arith.constant 1 : i32
    scf.for %scan3A_43 = %scan3A_33 to %scan3A_35 step %scan3A_36  : i32 {
      %mul3A_44 = arith.constant 80 : i32
      %mul3A_45 = arith.muli %scan3A_43, %mul3A_44 : i32
      %add3A_46 = arith.addi %mul3A_2, %mul3A_45 : i32
      "tpu.region"() ({
        %run_scoped3A = tpu.sem_alloc : memref<!tpu.dma_semaphore, #tpu.memory_space<semaphore_mem>>
        %dma_start3A = tpu.memref_slice %arg2[%add3A_46] : memref<320000xi32, #tpu.memory_space<hbm>> -> memref<80xi32, #tpu.memory_space<hbm>>
        %dma_start3A_47 = tpu.memref_slice %arg2[%add3A_46] : memref<320000xi32, #tpu.memory_space<hbm>> -> memref<80xi32, #tpu.memory_space<hbm>>
        tpu.enqueue_dma source(%dma_start3A_47 : memref<80xi32, #tpu.memory_space<hbm>>) target(%arg5 : memref<80xi32, #tpu.memory_space<vmem>>) target_semaphore(%run_scoped3A : memref<!tpu.dma_semaphore, #tpu.memory_space<semaphore_mem>>)
        %dma_wait3A = tpu.memref_slice %arg2[%add3A_46] : memref<320000xi32, #tpu.memory_space<hbm>> -> memref<80xi32, #tpu.memory_space<hbm>>
        %dma_wait3A_48 = tpu.memref_slice %arg2[%add3A_46] : memref<320000xi32, #tpu.memory_space<hbm>> -> memref<80xi32, #tpu.memory_space<hbm>>
        tpu.wait_dma2 semaphore(%run_scoped3A : memref<!tpu.dma_semaphore, #tpu.memory_space<semaphore_mem>>) src(%dma_wait3A_48 : memref<80xi32, #tpu.memory_space<hbm>>) dst(%arg5 : memref<80xi32, #tpu.memory_space<vmem>>)
        tpu.yield
      }) : () -> ()
      "tpu.region"() ({
        %run_scoped3A = tpu.sem_alloc : memref<!tpu.dma_semaphore, #tpu.memory_space<semaphore_mem>>
        %dma_start3A = arith.constant 0 : i32
        %dma_start3A_47 = tpu.memref_slice %arg7[%dma_start3A] : memref<10240xf32, #tpu.memory_space<vmem_shared>> -> memref<10240xf32, #tpu.memory_space<vmem_shared>>
        tpu.enqueue_indirect_dma source(%arg6 : memref<80xf32, #tpu.memory_space<vmem>>) target(%dma_start3A_47 : memref<10240xf32, #tpu.memory_space<vmem_shared>>) offsets(%arg5 : memref<80xi32, #tpu.memory_space<vmem>>) semaphore(%run_scoped3A : memref<!tpu.dma_semaphore, #tpu.memory_space<semaphore_mem>>) {add = true}
        %dma_wait3A = arith.constant 0 : i32
        %dma_wait3A_48 = tpu.memref_slice %arg7[%dma_wait3A] : memref<10240xf32, #tpu.memory_space<vmem_shared>> -> memref<10240xf32, #tpu.memory_space<vmem_shared>>
        tpu.wait_indirect_dma semaphore(%run_scoped3A : memref<!tpu.dma_semaphore, #tpu.memory_space<semaphore_mem>>) src(%arg6 : memref<80xf32, #tpu.memory_space<vmem>>) dst(%dma_wait3A_48 : memref<10240xf32, #tpu.memory_space<vmem_shared>>)
        tpu.yield
      }) : () -> ()
    }
    %scan3A_37 = arith.constant 125 : i32
    %barrier3A_38 = arith.constant 0 : index
    tpu.barrier barrier_id(%barrier3A_38)
    %mul3A_39 = arith.constant 640 : i32
    %mul3A_40 = arith.muli %arg1, %mul3A_39 : i32
    %mul3A_41 = arith.constant 640 : i32
    %mul3A_42 = arith.muli %arg1, %mul3A_41 : i32
    "tpu.region"() ({
      %run_scoped3A = tpu.sem_alloc : memref<!tpu.dma_semaphore, #tpu.memory_space<semaphore_mem>>
      %dma_start3A = tpu.memref_slice %arg4[%arg0, %mul3A_42] : memref<2x10240xf32, #tpu.memory_space<hbm>> -> memref<1x640xf32, #tpu.memory_space<hbm>>
      %dma_start3A_43 = tpu.memref_squeeze %dma_start3A : memref<1x640xf32, #tpu.memory_space<hbm>> -> memref<640xf32, #tpu.memory_space<hbm>>
      %dma_start3A_44 = tpu.memref_slice %arg7[%mul3A_40] : memref<10240xf32, #tpu.memory_space<vmem_shared>> -> memref<640xf32, #tpu.memory_space<vmem_shared>>
      tpu.enqueue_dma source(%dma_start3A_44 : memref<640xf32, #tpu.memory_space<vmem_shared>>) target(%dma_start3A_43 : memref<640xf32, #tpu.memory_space<hbm>>) target_semaphore(%run_scoped3A : memref<!tpu.dma_semaphore, #tpu.memory_space<semaphore_mem>>)
      %dma_wait3A = tpu.memref_slice %arg4[%arg0, %mul3A_42] : memref<2x10240xf32, #tpu.memory_space<hbm>> -> memref<1x640xf32, #tpu.memory_space<hbm>>
      %dma_wait3A_45 = tpu.memref_squeeze %dma_wait3A : memref<1x640xf32, #tpu.memory_space<hbm>> -> memref<640xf32, #tpu.memory_space<hbm>>
      %dma_wait3A_46 = tpu.memref_slice %arg7[%mul3A_40] : memref<10240xf32, #tpu.memory_space<vmem_shared>> -> memref<640xf32, #tpu.memory_space<vmem_shared>>
      tpu.wait_dma2 semaphore(%run_scoped3A : memref<!tpu.dma_semaphore, #tpu.memory_space<semaphore_mem>>) src(%dma_wait3A_46 : memref<640xf32, #tpu.memory_space<vmem_shared>>) dst(%dma_wait3A_45 : memref<640xf32, #tpu.memory_space<hbm>>)
      tpu.yield
    }) : () -> ()
    return
  }
}

#map = affine_map<(d0, d1) -> (0, 0)>
#map1 = affine_map<(d0, d1) -> (0)>
#map2 = affine_map<(d0, d1) -> (0, 0, 0)>
module attributes {stable_mosaic.version = 14 : i64} {
  func.func @_spmm_body(%arg0: i32, %arg1: i32, %arg2: memref<10240x128xf32, #tpu.memory_space<hbm>>, %arg3: memref<320000xi32, #tpu.memory_space<hbm>>, %arg4: memref<320000xi32, #tpu.memory_space<hbm>>, %arg5: memref<640x128xf32, #tpu.memory_space<hbm>>, %arg6: memref<2x10240x128xf32, #tpu.memory_space<hbm>>, %arg7: memref<80xi32, #tpu.memory_space<vmem>>, %arg8: memref<80xi32, #tpu.memory_space<vmem>>, %arg9: memref<80x128xf32, #tpu.memory_space<vmem>>, %arg10: memref<10240x128xf32, #tpu.memory_space<vmem_shared>>, %arg11: memref<!tpu.dma_semaphore, #tpu.memory_space<semaphore_mem>>) attributes {dimension_semantics = [#tpu.dimension_semantics<core_parallel>, #tpu.dimension_semantics<subcore_parallel>], iteration_bounds = array<i64: 2, 16>, scalar_prefetch = 0 : i64, scratch_operands = 5 : i64, tpu.core_type = #tpu.core_type<sc_vector_subcore>, window_params = [{transform_indices = #map}, {transform_indices = #map1}, {transform_indices = #map1}, {transform_indices = #map}, {transform_indices = #map2}]} {
    %mul3A = arith.constant 2 : i32
    %mul3A_0 = arith.muli %arg1, %mul3A : i32
    %add3A = arith.addi %mul3A_0, %arg0 : i32
    %mul3A_1 = arith.constant 10000 : i32
    %mul3A_2 = arith.muli %add3A, %mul3A_1 : i32
    %mul3A_3 = arith.constant 640 : i32
    %mul3A_4 = arith.muli %arg1, %mul3A_3 : i32
    "tpu.region"() ({
      %run_scoped3A = tpu.sem_alloc : memref<!tpu.dma_semaphore, #tpu.memory_space<semaphore_mem>>
      %dma_start3A = arith.constant 0 : i32
      %dma_start3A_15 = tpu.memref_slice %arg10[%mul3A_4, %dma_start3A] : memref<10240x128xf32, #tpu.memory_space<vmem_shared>> -> memref<640x128xf32, #tpu.memory_space<vmem_shared>>
      tpu.enqueue_dma source(%arg5 : memref<640x128xf32, #tpu.memory_space<hbm>>) target(%dma_start3A_15 : memref<640x128xf32, #tpu.memory_space<vmem_shared>>) target_semaphore(%run_scoped3A : memref<!tpu.dma_semaphore, #tpu.memory_space<semaphore_mem>>)
      %dma_wait3A = arith.constant 0 : i32
      %dma_wait3A_16 = tpu.memref_slice %arg10[%mul3A_4, %dma_wait3A] : memref<10240x128xf32, #tpu.memory_space<vmem_shared>> -> memref<640x128xf32, #tpu.memory_space<vmem_shared>>
      tpu.wait_dma2 semaphore(%run_scoped3A : memref<!tpu.dma_semaphore, #tpu.memory_space<semaphore_mem>>) src(%arg5 : memref<640x128xf32, #tpu.memory_space<hbm>>) dst(%dma_wait3A_16 : memref<640x128xf32, #tpu.memory_space<vmem_shared>>)
      tpu.yield
    }) : () -> ()
    %barrier3A = arith.constant 0 : index
    tpu.barrier barrier_id(%barrier3A)
    %scan3A = arith.constant 0 : i32
    %scan3A_5 = arith.constant 0 : i32
    %scan3A_6 = arith.constant 125 : i32
    %scan3A_7 = arith.addi %scan3A_5, %scan3A_6 : i32
    %scan3A_8 = arith.constant 1 : i32
    scf.for %scan3A_15 = %scan3A_5 to %scan3A_7 step %scan3A_8  : i32 {
      %mul3A_16 = arith.constant 80 : i32
      %mul3A_17 = arith.muli %scan3A_15, %mul3A_16 : i32
      %add3A_18 = arith.addi %mul3A_2, %mul3A_17 : i32
      "tpu.region"() ({
        %run_scoped3A = tpu.sem_alloc : memref<!tpu.dma_semaphore, #tpu.memory_space<semaphore_mem>>
        %dma_start3A_23 = tpu.memref_slice %arg3[%add3A_18] : memref<320000xi32, #tpu.memory_space<hbm>> -> memref<80xi32, #tpu.memory_space<hbm>>
        %dma_start3A_24 = tpu.memref_slice %arg3[%add3A_18] : memref<320000xi32, #tpu.memory_space<hbm>> -> memref<80xi32, #tpu.memory_space<hbm>>
        tpu.enqueue_dma source(%dma_start3A_24 : memref<80xi32, #tpu.memory_space<hbm>>) target(%arg7 : memref<80xi32, #tpu.memory_space<vmem>>) target_semaphore(%run_scoped3A : memref<!tpu.dma_semaphore, #tpu.memory_space<semaphore_mem>>)
        %dma_wait3A_25 = tpu.memref_slice %arg3[%add3A_18] : memref<320000xi32, #tpu.memory_space<hbm>> -> memref<80xi32, #tpu.memory_space<hbm>>
        %dma_wait3A_26 = tpu.memref_slice %arg3[%add3A_18] : memref<320000xi32, #tpu.memory_space<hbm>> -> memref<80xi32, #tpu.memory_space<hbm>>
        tpu.wait_dma2 semaphore(%run_scoped3A : memref<!tpu.dma_semaphore, #tpu.memory_space<semaphore_mem>>) src(%dma_wait3A_26 : memref<80xi32, #tpu.memory_space<hbm>>) dst(%arg7 : memref<80xi32, #tpu.memory_space<vmem>>)
        tpu.yield
      }) : () -> ()
      "tpu.region"() ({
        %run_scoped3A = tpu.sem_alloc : memref<!tpu.dma_semaphore, #tpu.memory_space<semaphore_mem>>
        %dma_start3A_23 = tpu.memref_slice %arg4[%add3A_18] : memref<320000xi32, #tpu.memory_space<hbm>> -> memref<80xi32, #tpu.memory_space<hbm>>
        %dma_start3A_24 = tpu.memref_slice %arg4[%add3A_18] : memref<320000xi32, #tpu.memory_space<hbm>> -> memref<80xi32, #tpu.memory_space<hbm>>
        tpu.enqueue_dma source(%dma_start3A_24 : memref<80xi32, #tpu.memory_space<hbm>>) target(%arg8 : memref<80xi32, #tpu.memory_space<vmem>>) target_semaphore(%run_scoped3A : memref<!tpu.dma_semaphore, #tpu.memory_space<semaphore_mem>>)
        %dma_wait3A_25 = tpu.memref_slice %arg4[%add3A_18] : memref<320000xi32, #tpu.memory_space<hbm>> -> memref<80xi32, #tpu.memory_space<hbm>>
        %dma_wait3A_26 = tpu.memref_slice %arg4[%add3A_18] : memref<320000xi32, #tpu.memory_space<hbm>> -> memref<80xi32, #tpu.memory_space<hbm>>
        tpu.wait_dma2 semaphore(%run_scoped3A : memref<!tpu.dma_semaphore, #tpu.memory_space<semaphore_mem>>) src(%dma_wait3A_26 : memref<80xi32, #tpu.memory_space<hbm>>) dst(%arg8 : memref<80xi32, #tpu.memory_space<vmem>>)
        tpu.yield
      }) : () -> ()
      %dma_start3A = arith.constant 0 : i32
      %dma_start3A_19 = arith.constant 0 : i32
      %dma_start3A_20 = tpu.memref_slice %arg2[%dma_start3A, %dma_start3A_19] : memref<10240x128xf32, #tpu.memory_space<hbm>> -> memref<10240x128xf32, #tpu.memory_space<hbm>>
      tpu.enqueue_indirect_dma source(%dma_start3A_20 : memref<10240x128xf32, #tpu.memory_space<hbm>>) target(%arg9 : memref<80x128xf32, #tpu.memory_space<vmem>>) offsets(%arg7 : memref<80xi32, #tpu.memory_space<vmem>>) semaphore(%arg11 : memref<!tpu.dma_semaphore, #tpu.memory_space<semaphore_mem>>)
      %dma_wait3A = arith.constant 0 : i32
      %dma_wait3A_21 = arith.constant 0 : i32
      %dma_wait3A_22 = tpu.memref_slice %arg2[%dma_wait3A, %dma_wait3A_21] : memref<10240x128xf32, #tpu.memory_space<hbm>> -> memref<10240x128xf32, #tpu.memory_space<hbm>>
      tpu.wait_indirect_dma semaphore(%arg11 : memref<!tpu.dma_semaphore, #tpu.memory_space<semaphore_mem>>) src(%dma_wait3A_22 : memref<10240x128xf32, #tpu.memory_space<hbm>>) dst(%arg9 : memref<80x128xf32, #tpu.memory_space<vmem>>)
      "tpu.region"() ({
        %run_scoped3A = tpu.sem_alloc : memref<!tpu.dma_semaphore, #tpu.memory_space<semaphore_mem>>
        %dma_start3A_23 = arith.constant 0 : i32
        %dma_start3A_24 = arith.constant 0 : i32
        %dma_start3A_25 = tpu.memref_slice %arg10[%dma_start3A_23, %dma_start3A_24] : memref<10240x128xf32, #tpu.memory_space<vmem_shared>> -> memref<10240x128xf32, #tpu.memory_space<vmem_shared>>
        tpu.enqueue_indirect_dma source(%arg9 : memref<80x128xf32, #tpu.memory_space<vmem>>) target(%dma_start3A_25 : memref<10240x128xf32, #tpu.memory_space<vmem_shared>>) offsets(%arg8 : memref<80xi32, #tpu.memory_space<vmem>>) semaphore(%run_scoped3A : memref<!tpu.dma_semaphore, #tpu.memory_space<semaphore_mem>>) {add = true}
        %dma_wait3A_26 = arith.constant 0 : i32
        %dma_wait3A_27 = arith.constant 0 : i32
        %dma_wait3A_28 = tpu.memref_slice %arg10[%dma_wait3A_26, %dma_wait3A_27] : memref<10240x128xf32, #tpu.memory_space<vmem_shared>> -> memref<10240x128xf32, #tpu.memory_space<vmem_shared>>
        tpu.wait_indirect_dma semaphore(%run_scoped3A : memref<!tpu.dma_semaphore, #tpu.memory_space<semaphore_mem>>) src(%arg9 : memref<80x128xf32, #tpu.memory_space<vmem>>) dst(%dma_wait3A_28 : memref<10240x128xf32, #tpu.memory_space<vmem_shared>>)
        tpu.yield
      }) : () -> ()
    }
    %scan3A_9 = arith.constant 125 : i32
    %barrier3A_10 = arith.constant 0 : index
    tpu.barrier barrier_id(%barrier3A_10)
    %mul3A_11 = arith.constant 640 : i32
    %mul3A_12 = arith.muli %arg1, %mul3A_11 : i32
    %mul3A_13 = arith.constant 640 : i32
    %mul3A_14 = arith.muli %arg1, %mul3A_13 : i32
    "tpu.region"() ({
      %run_scoped3A = tpu.sem_alloc : memref<!tpu.dma_semaphore, #tpu.memory_space<semaphore_mem>>
      %dma_start3A = arith.constant 0 : i32
      %dma_start3A_15 = tpu.memref_slice %arg6[%arg0, %mul3A_14, %dma_start3A] : memref<2x10240x128xf32, #tpu.memory_space<hbm>> -> memref<1x640x128xf32, #tpu.memory_space<hbm>>
      %dma_start3A_16 = tpu.memref_squeeze %dma_start3A_15 : memref<1x640x128xf32, #tpu.memory_space<hbm>> -> memref<640x128xf32, #tpu.memory_space<hbm>>
      %dma_start3A_17 = arith.constant 0 : i32
      %dma_start3A_18 = tpu.memref_slice %arg10[%mul3A_12, %dma_start3A_17] : memref<10240x128xf32, #tpu.memory_space<vmem_shared>> -> memref<640x128xf32, #tpu.memory_space<vmem_shared>>
      tpu.enqueue_dma source(%dma_start3A_18 : memref<640x128xf32, #tpu.memory_space<vmem_shared>>) target(%dma_start3A_16 : memref<640x128xf32, #tpu.memory_space<hbm>>) target_semaphore(%run_scoped3A : memref<!tpu.dma_semaphore, #tpu.memory_space<semaphore_mem>>)
      %dma_wait3A = arith.constant 0 : i32
      %dma_wait3A_19 = tpu.memref_slice %arg6[%arg0, %mul3A_14, %dma_wait3A] : memref<2x10240x128xf32, #tpu.memory_space<hbm>> -> memref<1x640x128xf32, #tpu.memory_space<hbm>>
      %dma_wait3A_20 = tpu.memref_squeeze %dma_wait3A_19 : memref<1x640x128xf32, #tpu.memory_space<hbm>> -> memref<640x128xf32, #tpu.memory_space<hbm>>
      %dma_wait3A_21 = arith.constant 0 : i32
      %dma_wait3A_22 = tpu.memref_slice %arg10[%mul3A_12, %dma_wait3A_21] : memref<10240x128xf32, #tpu.memory_space<vmem_shared>> -> memref<640x128xf32, #tpu.memory_space<vmem_shared>>
      tpu.wait_dma2 semaphore(%run_scoped3A : memref<!tpu.dma_semaphore, #tpu.memory_space<semaphore_mem>>) src(%dma_wait3A_22 : memref<640x128xf32, #tpu.memory_space<vmem_shared>>) dst(%dma_wait3A_20 : memref<640x128xf32, #tpu.memory_space<hbm>>)
      tpu.yield
    }) : () -> ()
    return
  }
}

#map = affine_map<(d0, d1) -> (0, 0)>
#map1 = affine_map<(d0, d1) -> (0)>
#map2 = affine_map<(d0, d1) -> (0, 0, 0)>
module attributes {stable_mosaic.version = 14 : i64} {
  func.func @_spmm_body(%arg0: i32, %arg1: i32, %arg2: memref<10240x128xf32, #tpu.memory_space<hbm>>, %arg3: memref<320000xi32, #tpu.memory_space<hbm>>, %arg4: memref<320000xi32, #tpu.memory_space<hbm>>, %arg5: memref<640x128xf32, #tpu.memory_space<hbm>>, %arg6: memref<2x10240x128xf32, #tpu.memory_space<hbm>>, %arg7: memref<80xi32, #tpu.memory_space<vmem>>, %arg8: memref<80xi32, #tpu.memory_space<vmem>>, %arg9: memref<80x128xf32, #tpu.memory_space<vmem>>, %arg10: memref<10240x128xf32, #tpu.memory_space<vmem_shared>>, %arg11: memref<!tpu.dma_semaphore, #tpu.memory_space<semaphore_mem>>) attributes {dimension_semantics = [#tpu.dimension_semantics<core_parallel>, #tpu.dimension_semantics<subcore_parallel>], iteration_bounds = array<i64: 2, 16>, scalar_prefetch = 0 : i64, scratch_operands = 5 : i64, tpu.core_type = #tpu.core_type<sc_vector_subcore>, window_params = [{transform_indices = #map}, {transform_indices = #map1}, {transform_indices = #map1}, {transform_indices = #map}, {transform_indices = #map2}]} {
    %mul3A = arith.constant 2 : i32
    %mul3A_0 = arith.muli %arg1, %mul3A : i32
    %add3A = arith.addi %mul3A_0, %arg0 : i32
    %mul3A_1 = arith.constant 10000 : i32
    %mul3A_2 = arith.muli %add3A, %mul3A_1 : i32
    %mul3A_3 = arith.constant 640 : i32
    %mul3A_4 = arith.muli %arg1, %mul3A_3 : i32
    "tpu.region"() ({
      %run_scoped3A = tpu.sem_alloc : memref<!tpu.dma_semaphore, #tpu.memory_space<semaphore_mem>>
      %dma_start3A = arith.constant 0 : i32
      %dma_start3A_15 = tpu.memref_slice %arg10[%mul3A_4, %dma_start3A] : memref<10240x128xf32, #tpu.memory_space<vmem_shared>> -> memref<640x128xf32, #tpu.memory_space<vmem_shared>>
      tpu.enqueue_dma source(%arg5 : memref<640x128xf32, #tpu.memory_space<hbm>>) target(%dma_start3A_15 : memref<640x128xf32, #tpu.memory_space<vmem_shared>>) target_semaphore(%run_scoped3A : memref<!tpu.dma_semaphore, #tpu.memory_space<semaphore_mem>>)
      %dma_wait3A = arith.constant 0 : i32
      %dma_wait3A_16 = tpu.memref_slice %arg10[%mul3A_4, %dma_wait3A] : memref<10240x128xf32, #tpu.memory_space<vmem_shared>> -> memref<640x128xf32, #tpu.memory_space<vmem_shared>>
      tpu.wait_dma2 semaphore(%run_scoped3A : memref<!tpu.dma_semaphore, #tpu.memory_space<semaphore_mem>>) src(%arg5 : memref<640x128xf32, #tpu.memory_space<hbm>>) dst(%dma_wait3A_16 : memref<640x128xf32, #tpu.memory_space<vmem_shared>>)
      tpu.yield
    }) : () -> ()
    %barrier3A = arith.constant 0 : index
    tpu.barrier barrier_id(%barrier3A)
    %scan3A = arith.constant 0 : i32
    %scan3A_5 = arith.constant 0 : i32
    %scan3A_6 = arith.constant 125 : i32
    %scan3A_7 = arith.addi %scan3A_5, %scan3A_6 : i32
    %scan3A_8 = arith.constant 1 : i32
    scf.for %scan3A_15 = %scan3A_5 to %scan3A_7 step %scan3A_8  : i32 {
      %mul3A_16 = arith.constant 80 : i32
      %mul3A_17 = arith.muli %scan3A_15, %mul3A_16 : i32
      %add3A_18 = arith.addi %mul3A_2, %mul3A_17 : i32
      "tpu.region"() ({
        %run_scoped3A = tpu.sem_alloc : memref<!tpu.dma_semaphore, #tpu.memory_space<semaphore_mem>>
        %dma_start3A_23 = tpu.memref_slice %arg3[%add3A_18] : memref<320000xi32, #tpu.memory_space<hbm>> -> memref<80xi32, #tpu.memory_space<hbm>>
        %dma_start3A_24 = tpu.memref_slice %arg3[%add3A_18] : memref<320000xi32, #tpu.memory_space<hbm>> -> memref<80xi32, #tpu.memory_space<hbm>>
        tpu.enqueue_dma source(%dma_start3A_24 : memref<80xi32, #tpu.memory_space<hbm>>) target(%arg7 : memref<80xi32, #tpu.memory_space<vmem>>) target_semaphore(%run_scoped3A : memref<!tpu.dma_semaphore, #tpu.memory_space<semaphore_mem>>)
        %dma_wait3A_25 = tpu.memref_slice %arg3[%add3A_18] : memref<320000xi32, #tpu.memory_space<hbm>> -> memref<80xi32, #tpu.memory_space<hbm>>
        %dma_wait3A_26 = tpu.memref_slice %arg3[%add3A_18] : memref<320000xi32, #tpu.memory_space<hbm>> -> memref<80xi32, #tpu.memory_space<hbm>>
        tpu.wait_dma2 semaphore(%run_scoped3A : memref<!tpu.dma_semaphore, #tpu.memory_space<semaphore_mem>>) src(%dma_wait3A_26 : memref<80xi32, #tpu.memory_space<hbm>>) dst(%arg7 : memref<80xi32, #tpu.memory_space<vmem>>)
        tpu.yield
      }) : () -> ()
      "tpu.region"() ({
        %run_scoped3A = tpu.sem_alloc : memref<!tpu.dma_semaphore, #tpu.memory_space<semaphore_mem>>
        %dma_start3A_23 = tpu.memref_slice %arg4[%add3A_18] : memref<320000xi32, #tpu.memory_space<hbm>> -> memref<80xi32, #tpu.memory_space<hbm>>
        %dma_start3A_24 = tpu.memref_slice %arg4[%add3A_18] : memref<320000xi32, #tpu.memory_space<hbm>> -> memref<80xi32, #tpu.memory_space<hbm>>
        tpu.enqueue_dma source(%dma_start3A_24 : memref<80xi32, #tpu.memory_space<hbm>>) target(%arg8 : memref<80xi32, #tpu.memory_space<vmem>>) target_semaphore(%run_scoped3A : memref<!tpu.dma_semaphore, #tpu.memory_space<semaphore_mem>>)
        %dma_wait3A_25 = tpu.memref_slice %arg4[%add3A_18] : memref<320000xi32, #tpu.memory_space<hbm>> -> memref<80xi32, #tpu.memory_space<hbm>>
        %dma_wait3A_26 = tpu.memref_slice %arg4[%add3A_18] : memref<320000xi32, #tpu.memory_space<hbm>> -> memref<80xi32, #tpu.memory_space<hbm>>
        tpu.wait_dma2 semaphore(%run_scoped3A : memref<!tpu.dma_semaphore, #tpu.memory_space<semaphore_mem>>) src(%dma_wait3A_26 : memref<80xi32, #tpu.memory_space<hbm>>) dst(%arg8 : memref<80xi32, #tpu.memory_space<vmem>>)
        tpu.yield
      }) : () -> ()
      %dma_start3A = arith.constant 0 : i32
      %dma_start3A_19 = arith.constant 0 : i32
      %dma_start3A_20 = tpu.memref_slice %arg2[%dma_start3A, %dma_start3A_19] : memref<10240x128xf32, #tpu.memory_space<hbm>> -> memref<10240x128xf32, #tpu.memory_space<hbm>>
      tpu.enqueue_indirect_dma source(%dma_start3A_20 : memref<10240x128xf32, #tpu.memory_space<hbm>>) target(%arg9 : memref<80x128xf32, #tpu.memory_space<vmem>>) offsets(%arg7 : memref<80xi32, #tpu.memory_space<vmem>>) semaphore(%arg11 : memref<!tpu.dma_semaphore, #tpu.memory_space<semaphore_mem>>)
      %dma_wait3A = arith.constant 0 : i32
      %dma_wait3A_21 = arith.constant 0 : i32
      %dma_wait3A_22 = tpu.memref_slice %arg2[%dma_wait3A, %dma_wait3A_21] : memref<10240x128xf32, #tpu.memory_space<hbm>> -> memref<10240x128xf32, #tpu.memory_space<hbm>>
      tpu.wait_indirect_dma semaphore(%arg11 : memref<!tpu.dma_semaphore, #tpu.memory_space<semaphore_mem>>) src(%dma_wait3A_22 : memref<10240x128xf32, #tpu.memory_space<hbm>>) dst(%arg9 : memref<80x128xf32, #tpu.memory_space<vmem>>)
      "tpu.region"() ({
        %run_scoped3A = tpu.sem_alloc : memref<!tpu.dma_semaphore, #tpu.memory_space<semaphore_mem>>
        %dma_start3A_23 = arith.constant 0 : i32
        %dma_start3A_24 = arith.constant 0 : i32
        %dma_start3A_25 = tpu.memref_slice %arg10[%dma_start3A_23, %dma_start3A_24] : memref<10240x128xf32, #tpu.memory_space<vmem_shared>> -> memref<10240x128xf32, #tpu.memory_space<vmem_shared>>
        tpu.enqueue_indirect_dma source(%arg9 : memref<80x128xf32, #tpu.memory_space<vmem>>) target(%dma_start3A_25 : memref<10240x128xf32, #tpu.memory_space<vmem_shared>>) offsets(%arg8 : memref<80xi32, #tpu.memory_space<vmem>>) semaphore(%run_scoped3A : memref<!tpu.dma_semaphore, #tpu.memory_space<semaphore_mem>>) {add = true}
        %dma_wait3A_26 = arith.constant 0 : i32
        %dma_wait3A_27 = arith.constant 0 : i32
        %dma_wait3A_28 = tpu.memref_slice %arg10[%dma_wait3A_26, %dma_wait3A_27] : memref<10240x128xf32, #tpu.memory_space<vmem_shared>> -> memref<10240x128xf32, #tpu.memory_space<vmem_shared>>
        tpu.wait_indirect_dma semaphore(%run_scoped3A : memref<!tpu.dma_semaphore, #tpu.memory_space<semaphore_mem>>) src(%arg9 : memref<80x128xf32, #tpu.memory_space<vmem>>) dst(%dma_wait3A_28 : memref<10240x128xf32, #tpu.memory_space<vmem_shared>>)
        tpu.yield
      }) : () -> ()
    }
    %scan3A_9 = arith.constant 125 : i32
    %barrier3A_10 = arith.constant 0 : index
    tpu.barrier barrier_id(%barrier3A_10)
    %mul3A_11 = arith.constant 640 : i32
    %mul3A_12 = arith.muli %arg1, %mul3A_11 : i32
    %mul3A_13 = arith.constant 640 : i32
    %mul3A_14 = arith.muli %arg1, %mul3A_13 : i32
    "tpu.region"() ({
      %run_scoped3A = tpu.sem_alloc : memref<!tpu.dma_semaphore, #tpu.memory_space<semaphore_mem>>
      %dma_start3A = arith.constant 0 : i32
      %dma_start3A_15 = tpu.memref_slice %arg6[%arg0, %mul3A_14, %dma_start3A] : memref<2x10240x128xf32, #tpu.memory_space<hbm>> -> memref<1x640x128xf32, #tpu.memory_space<hbm>>
      %dma_start3A_16 = tpu.memref_squeeze %dma_start3A_15 : memref<1x640x128xf32, #tpu.memory_space<hbm>> -> memref<640x128xf32, #tpu.memory_space<hbm>>
      %dma_start3A_17 = arith.constant 0 : i32
      %dma_start3A_18 = tpu.memref_slice %arg10[%mul3A_12, %dma_start3A_17] : memref<10240x128xf32, #tpu.memory_space<vmem_shared>> -> memref<640x128xf32, #tpu.memory_space<vmem_shared>>
      tpu.enqueue_dma source(%dma_start3A_18 : memref<640x128xf32, #tpu.memory_space<vmem_shared>>) target(%dma_start3A_16 : memref<640x128xf32, #tpu.memory_space<hbm>>) target_semaphore(%run_scoped3A : memref<!tpu.dma_semaphore, #tpu.memory_space<semaphore_mem>>)
      %dma_wait3A = arith.constant 0 : i32
      %dma_wait3A_19 = tpu.memref_slice %arg6[%arg0, %mul3A_14, %dma_wait3A] : memref<2x10240x128xf32, #tpu.memory_space<hbm>> -> memref<1x640x128xf32, #tpu.memory_space<hbm>>
      %dma_wait3A_20 = tpu.memref_squeeze %dma_wait3A_19 : memref<1x640x128xf32, #tpu.memory_space<hbm>> -> memref<640x128xf32, #tpu.memory_space<hbm>>
      %dma_wait3A_21 = arith.constant 0 : i32
      %dma_wait3A_22 = tpu.memref_slice %arg10[%mul3A_12, %dma_wait3A_21] : memref<10240x128xf32, #tpu.memory_space<vmem_shared>> -> memref<640x128xf32, #tpu.memory_space<vmem_shared>>
      tpu.wait_dma2 semaphore(%run_scoped3A : memref<!tpu.dma_semaphore, #tpu.memory_space<semaphore_mem>>) src(%dma_wait3A_22 : memref<640x128xf32, #tpu.memory_space<vmem_shared>>) dst(%dma_wait3A_20 : memref<640x128xf32, #tpu.memory_space<hbm>>)
      tpu.yield
    }) : () -> ()
    return
  }
}

#map = affine_map<(d0, d1) -> (0, 0)>
#map1 = affine_map<(d0, d1) -> (0)>
#map2 = affine_map<(d0, d1) -> (0, 0, 0)>
module attributes {stable_mosaic.version = 14 : i64} {
  func.func @_spmm_body(%arg0: i32, %arg1: i32, %arg2: memref<10240x128xf32, #tpu.memory_space<hbm>>, %arg3: memref<320000xi32, #tpu.memory_space<hbm>>, %arg4: memref<320000xi32, #tpu.memory_space<hbm>>, %arg5: memref<640x128xf32, #tpu.memory_space<hbm>>, %arg6: memref<2x10240x128xf32, #tpu.memory_space<hbm>>, %arg7: memref<80xi32, #tpu.memory_space<vmem>>, %arg8: memref<80xi32, #tpu.memory_space<vmem>>, %arg9: memref<80x128xf32, #tpu.memory_space<vmem>>, %arg10: memref<10240x128xf32, #tpu.memory_space<vmem_shared>>, %arg11: memref<!tpu.dma_semaphore, #tpu.memory_space<semaphore_mem>>) attributes {dimension_semantics = [#tpu.dimension_semantics<core_parallel>, #tpu.dimension_semantics<subcore_parallel>], iteration_bounds = array<i64: 2, 16>, scalar_prefetch = 0 : i64, scratch_operands = 5 : i64, tpu.core_type = #tpu.core_type<sc_vector_subcore>, window_params = [{transform_indices = #map}, {transform_indices = #map1}, {transform_indices = #map1}, {transform_indices = #map}, {transform_indices = #map2}]} {
    %mul3A = arith.constant 2 : i32
    %mul3A_0 = arith.muli %arg1, %mul3A : i32
    %add3A = arith.addi %mul3A_0, %arg0 : i32
    %mul3A_1 = arith.constant 10000 : i32
    %mul3A_2 = arith.muli %add3A, %mul3A_1 : i32
    %mul3A_3 = arith.constant 640 : i32
    %mul3A_4 = arith.muli %arg1, %mul3A_3 : i32
    "tpu.region"() ({
      %run_scoped3A = tpu.sem_alloc : memref<!tpu.dma_semaphore, #tpu.memory_space<semaphore_mem>>
      %dma_start3A = arith.constant 0 : i32
      %dma_start3A_15 = tpu.memref_slice %arg10[%mul3A_4, %dma_start3A] : memref<10240x128xf32, #tpu.memory_space<vmem_shared>> -> memref<640x128xf32, #tpu.memory_space<vmem_shared>>
      tpu.enqueue_dma source(%arg5 : memref<640x128xf32, #tpu.memory_space<hbm>>) target(%dma_start3A_15 : memref<640x128xf32, #tpu.memory_space<vmem_shared>>) target_semaphore(%run_scoped3A : memref<!tpu.dma_semaphore, #tpu.memory_space<semaphore_mem>>)
      %dma_wait3A = arith.constant 0 : i32
      %dma_wait3A_16 = tpu.memref_slice %arg10[%mul3A_4, %dma_wait3A] : memref<10240x128xf32, #tpu.memory_space<vmem_shared>> -> memref<640x128xf32, #tpu.memory_space<vmem_shared>>
      tpu.wait_dma2 semaphore(%run_scoped3A : memref<!tpu.dma_semaphore, #tpu.memory_space<semaphore_mem>>) src(%arg5 : memref<640x128xf32, #tpu.memory_space<hbm>>) dst(%dma_wait3A_16 : memref<640x128xf32, #tpu.memory_space<vmem_shared>>)
      tpu.yield
    }) : () -> ()
    %barrier3A = arith.constant 0 : index
    tpu.barrier barrier_id(%barrier3A)
    %scan3A = arith.constant 0 : i32
    %scan3A_5 = arith.constant 0 : i32
    %scan3A_6 = arith.constant 125 : i32
    %scan3A_7 = arith.addi %scan3A_5, %scan3A_6 : i32
    %scan3A_8 = arith.constant 1 : i32
    scf.for %scan3A_15 = %scan3A_5 to %scan3A_7 step %scan3A_8  : i32 {
      %mul3A_16 = arith.constant 80 : i32
      %mul3A_17 = arith.muli %scan3A_15, %mul3A_16 : i32
      %add3A_18 = arith.addi %mul3A_2, %mul3A_17 : i32
      "tpu.region"() ({
        %run_scoped3A = tpu.sem_alloc : memref<!tpu.dma_semaphore, #tpu.memory_space<semaphore_mem>>
        %dma_start3A_23 = tpu.memref_slice %arg3[%add3A_18] : memref<320000xi32, #tpu.memory_space<hbm>> -> memref<80xi32, #tpu.memory_space<hbm>>
        %dma_start3A_24 = tpu.memref_slice %arg3[%add3A_18] : memref<320000xi32, #tpu.memory_space<hbm>> -> memref<80xi32, #tpu.memory_space<hbm>>
        tpu.enqueue_dma source(%dma_start3A_24 : memref<80xi32, #tpu.memory_space<hbm>>) target(%arg7 : memref<80xi32, #tpu.memory_space<vmem>>) target_semaphore(%run_scoped3A : memref<!tpu.dma_semaphore, #tpu.memory_space<semaphore_mem>>)
        %dma_wait3A_25 = tpu.memref_slice %arg3[%add3A_18] : memref<320000xi32, #tpu.memory_space<hbm>> -> memref<80xi32, #tpu.memory_space<hbm>>
        %dma_wait3A_26 = tpu.memref_slice %arg3[%add3A_18] : memref<320000xi32, #tpu.memory_space<hbm>> -> memref<80xi32, #tpu.memory_space<hbm>>
        tpu.wait_dma2 semaphore(%run_scoped3A : memref<!tpu.dma_semaphore, #tpu.memory_space<semaphore_mem>>) src(%dma_wait3A_26 : memref<80xi32, #tpu.memory_space<hbm>>) dst(%arg7 : memref<80xi32, #tpu.memory_space<vmem>>)
        tpu.yield
      }) : () -> ()
      "tpu.region"() ({
        %run_scoped3A = tpu.sem_alloc : memref<!tpu.dma_semaphore, #tpu.memory_space<semaphore_mem>>
        %dma_start3A_23 = tpu.memref_slice %arg4[%add3A_18] : memref<320000xi32, #tpu.memory_space<hbm>> -> memref<80xi32, #tpu.memory_space<hbm>>
        %dma_start3A_24 = tpu.memref_slice %arg4[%add3A_18] : memref<320000xi32, #tpu.memory_space<hbm>> -> memref<80xi32, #tpu.memory_space<hbm>>
        tpu.enqueue_dma source(%dma_start3A_24 : memref<80xi32, #tpu.memory_space<hbm>>) target(%arg8 : memref<80xi32, #tpu.memory_space<vmem>>) target_semaphore(%run_scoped3A : memref<!tpu.dma_semaphore, #tpu.memory_space<semaphore_mem>>)
        %dma_wait3A_25 = tpu.memref_slice %arg4[%add3A_18] : memref<320000xi32, #tpu.memory_space<hbm>> -> memref<80xi32, #tpu.memory_space<hbm>>
        %dma_wait3A_26 = tpu.memref_slice %arg4[%add3A_18] : memref<320000xi32, #tpu.memory_space<hbm>> -> memref<80xi32, #tpu.memory_space<hbm>>
        tpu.wait_dma2 semaphore(%run_scoped3A : memref<!tpu.dma_semaphore, #tpu.memory_space<semaphore_mem>>) src(%dma_wait3A_26 : memref<80xi32, #tpu.memory_space<hbm>>) dst(%arg8 : memref<80xi32, #tpu.memory_space<vmem>>)
        tpu.yield
      }) : () -> ()
      %dma_start3A = arith.constant 0 : i32
      %dma_start3A_19 = arith.constant 0 : i32
      %dma_start3A_20 = tpu.memref_slice %arg2[%dma_start3A, %dma_start3A_19] : memref<10240x128xf32, #tpu.memory_space<hbm>> -> memref<10240x128xf32, #tpu.memory_space<hbm>>
      tpu.enqueue_indirect_dma source(%dma_start3A_20 : memref<10240x128xf32, #tpu.memory_space<hbm>>) target(%arg9 : memref<80x128xf32, #tpu.memory_space<vmem>>) offsets(%arg7 : memref<80xi32, #tpu.memory_space<vmem>>) semaphore(%arg11 : memref<!tpu.dma_semaphore, #tpu.memory_space<semaphore_mem>>)
      %dma_wait3A = arith.constant 0 : i32
      %dma_wait3A_21 = arith.constant 0 : i32
      %dma_wait3A_22 = tpu.memref_slice %arg2[%dma_wait3A, %dma_wait3A_21] : memref<10240x128xf32, #tpu.memory_space<hbm>> -> memref<10240x128xf32, #tpu.memory_space<hbm>>
      tpu.wait_indirect_dma semaphore(%arg11 : memref<!tpu.dma_semaphore, #tpu.memory_space<semaphore_mem>>) src(%dma_wait3A_22 : memref<10240x128xf32, #tpu.memory_space<hbm>>) dst(%arg9 : memref<80x128xf32, #tpu.memory_space<vmem>>)
      "tpu.region"() ({
        %run_scoped3A = tpu.sem_alloc : memref<!tpu.dma_semaphore, #tpu.memory_space<semaphore_mem>>
        %dma_start3A_23 = arith.constant 0 : i32
        %dma_start3A_24 = arith.constant 0 : i32
        %dma_start3A_25 = tpu.memref_slice %arg10[%dma_start3A_23, %dma_start3A_24] : memref<10240x128xf32, #tpu.memory_space<vmem_shared>> -> memref<10240x128xf32, #tpu.memory_space<vmem_shared>>
        tpu.enqueue_indirect_dma source(%arg9 : memref<80x128xf32, #tpu.memory_space<vmem>>) target(%dma_start3A_25 : memref<10240x128xf32, #tpu.memory_space<vmem_shared>>) offsets(%arg8 : memref<80xi32, #tpu.memory_space<vmem>>) semaphore(%run_scoped3A : memref<!tpu.dma_semaphore, #tpu.memory_space<semaphore_mem>>) {add = true}
        %dma_wait3A_26 = arith.constant 0 : i32
        %dma_wait3A_27 = arith.constant 0 : i32
        %dma_wait3A_28 = tpu.memref_slice %arg10[%dma_wait3A_26, %dma_wait3A_27] : memref<10240x128xf32, #tpu.memory_space<vmem_shared>> -> memref<10240x128xf32, #tpu.memory_space<vmem_shared>>
        tpu.wait_indirect_dma semaphore(%run_scoped3A : memref<!tpu.dma_semaphore, #tpu.memory_space<semaphore_mem>>) src(%arg9 : memref<80x128xf32, #tpu.memory_space<vmem>>) dst(%dma_wait3A_28 : memref<10240x128xf32, #tpu.memory_space<vmem_shared>>)
        tpu.yield
      }) : () -> ()
    }
    %scan3A_9 = arith.constant 125 : i32
    %barrier3A_10 = arith.constant 0 : index
    tpu.barrier barrier_id(%barrier3A_10)
    %mul3A_11 = arith.constant 640 : i32
    %mul3A_12 = arith.muli %arg1, %mul3A_11 : i32
    %mul3A_13 = arith.constant 640 : i32
    %mul3A_14 = arith.muli %arg1, %mul3A_13 : i32
    "tpu.region"() ({
      %run_scoped3A = tpu.sem_alloc : memref<!tpu.dma_semaphore, #tpu.memory_space<semaphore_mem>>
      %dma_start3A = arith.constant 0 : i32
      %dma_start3A_15 = tpu.memref_slice %arg6[%arg0, %mul3A_14, %dma_start3A] : memref<2x10240x128xf32, #tpu.memory_space<hbm>> -> memref<1x640x128xf32, #tpu.memory_space<hbm>>
      %dma_start3A_16 = tpu.memref_squeeze %dma_start3A_15 : memref<1x640x128xf32, #tpu.memory_space<hbm>> -> memref<640x128xf32, #tpu.memory_space<hbm>>
      %dma_start3A_17 = arith.constant 0 : i32
      %dma_start3A_18 = tpu.memref_slice %arg10[%mul3A_12, %dma_start3A_17] : memref<10240x128xf32, #tpu.memory_space<vmem_shared>> -> memref<640x128xf32, #tpu.memory_space<vmem_shared>>
      tpu.enqueue_dma source(%dma_start3A_18 : memref<640x128xf32, #tpu.memory_space<vmem_shared>>) target(%dma_start3A_16 : memref<640x128xf32, #tpu.memory_space<hbm>>) target_semaphore(%run_scoped3A : memref<!tpu.dma_semaphore, #tpu.memory_space<semaphore_mem>>)
      %dma_wait3A = arith.constant 0 : i32
      %dma_wait3A_19 = tpu.memref_slice %arg6[%arg0, %mul3A_14, %dma_wait3A] : memref<2x10240x128xf32, #tpu.memory_space<hbm>> -> memref<1x640x128xf32, #tpu.memory_space<hbm>>
      %dma_wait3A_20 = tpu.memref_squeeze %dma_wait3A_19 : memref<1x640x128xf32, #tpu.memory_space<hbm>> -> memref<640x128xf32, #tpu.memory_space<hbm>>
      %dma_wait3A_21 = arith.constant 0 : i32
      %dma_wait3A_22 = tpu.memref_slice %arg10[%mul3A_12, %dma_wait3A_21] : memref<10240x128xf32, #tpu.memory_space<vmem_shared>> -> memref<640x128xf32, #tpu.memory_space<vmem_shared>>
      tpu.wait_dma2 semaphore(%run_scoped3A : memref<!tpu.dma_semaphore, #tpu.memory_space<semaphore_mem>>) src(%dma_wait3A_22 : memref<640x128xf32, #tpu.memory_space<vmem_shared>>) dst(%dma_wait3A_20 : memref<640x128xf32, #tpu.memory_space<hbm>>)
      tpu.yield
    }) : () -> ()
    return
  }
}

module attributes {stable_mosaic.version = 14 : i64} {
  func.func @_first_body(%arg0: i32, %arg1: memref<640x128xf32, #tpu.memory_space<vmem>>, %arg2: memref<128x128xf32, #tpu.memory_space<vmem>>, %arg3: memref<2x640x1xf32, #tpu.memory_space<vmem>>, %arg4: memref<640x128xf32, #tpu.memory_space<vmem>>, %arg5: memref<640x1xf32, #tpu.memory_space<vmem>>) attributes {dimension_semantics = [#tpu.dimension_semantics<arbitrary>], iteration_bounds = array<i64: 16>, scalar_prefetch = 0 : i64, scratch_operands = 0 : i64, tpu.core_type = #tpu.core_type<tc>, window_params = [{transform_indices = @transform_0, window_bounds = array<i64: 640, 128>}, {pipeline_mode = #tpu.pipeline_mode<synchronous>, transform_indices = @transform_1, window_bounds = array<i64: 128, 128>}, {transform_indices = @transform_2, window_bounds = array<i64: 2, 640, 1>}, {transform_indices = @transform_3, window_bounds = array<i64: 640, 128>}, {transform_indices = @transform_4, window_bounds = array<i64: 640, 1>}]} {
    %get3A = arith.constant 0 : index
    %get3A_0 = arith.constant 0 : index
    %get3A_1 = arith.constant 0 : index
    %get3A_2 = vector.load %arg3[%get3A, %get3A_0, %get3A_1] : memref<2x640x1xf32, #tpu.memory_space<vmem>>, vector<1x640x1xf32>
    %get3A_3 = vector.shape_cast %get3A_2 : vector<1x640x1xf32> to vector<640x1xf32>
    %get3A_4 = arith.constant 1 : index
    %get3A_5 = arith.constant 0 : index
    %get3A_6 = arith.constant 0 : index
    %get3A_7 = vector.load %arg3[%get3A_4, %get3A_5, %get3A_6] : memref<2x640x1xf32, #tpu.memory_space<vmem>>, vector<1x640x1xf32>
    %get3A_8 = vector.shape_cast %get3A_7 : vector<1x640x1xf32> to vector<640x1xf32>
    %add3A = arith.addf %get3A_3, %get3A_8 : vector<640x1xf32>
    %add3A_9 = arith.constant 1.000000e+00 : f32
    %add3A_10 = vector.broadcast %add3A_9 : f32 to vector<640x1xf32>
    %add3A_11 = arith.addf %add3A, %add3A_10 : vector<640x1xf32>
    %rsqrt3A = math.rsqrt %add3A_11 : vector<640x1xf32>
    %get3A_12 = arith.constant 0 : index
    %get3A_13 = arith.constant 0 : index
    %get3A_14 = vector.load %arg1[%get3A_12, %get3A_13] : memref<640x128xf32, #tpu.memory_space<vmem>>, vector<640x128xf32>
    %get3A_15 = arith.constant 0 : index
    %get3A_16 = arith.constant 0 : index
    %get3A_17 = vector.load %arg2[%get3A_15, %get3A_16] : memref<128x128xf32, #tpu.memory_space<vmem>>, vector<128x128xf32>
    %dot_general3A = arith.constant dense<0.000000e+00> : vector<640x128xf32>
    %dot_general3A_18 = tpu.matmul %get3A_14, %get3A_17, %dot_general3A {dimension_numbers = #tpu.dot_dimension_numbers<[1], [0], [0], [1], [0, 0, 1, 1], [], []>, transpose_lhs_hint = false} : vector<640x128xf32>, vector<128x128xf32>, vector<640x128xf32> -> vector<640x128xf32>
    %mul3A = vector.broadcast %rsqrt3A : vector<640x1xf32> to vector<640x128xf32>
    %mul3A_19 = arith.mulf %dot_general3A_18, %mul3A : vector<640x128xf32>
    %swap3A = arith.constant 0 : index
    %swap3A_20 = arith.constant 0 : index
    %swap3A_21 = vector.load %arg4[%swap3A, %swap3A_20] : memref<640x128xf32, #tpu.memory_space<vmem>>, vector<640x128xf32>
    tpu.vector_store %arg4[%swap3A, %swap3A_20], %mul3A_19 {strides = array<i32>} : memref<640x128xf32, #tpu.memory_space<vmem>>, vector<640x128xf32>,
    %swap3A_22 = arith.constant 0 : index
    %swap3A_23 = arith.constant 0 : index
    %swap3A_24 = vector.load %arg5[%swap3A_22, %swap3A_23] : memref<640x1xf32, #tpu.memory_space<vmem>>, vector<640x1xf32>
    tpu.vector_store %arg5[%swap3A_22, %swap3A_23], %rsqrt3A {strides = array<i32>} : memref<640x1xf32, #tpu.memory_space<vmem>>, vector<640x1xf32>,
    return
  }
  func.func @transform_0(%arg0: i32) -> (i32, i32) {
    %c0_i32 = arith.constant 0 : i32
    %c0_i32_0 = arith.constant 0 : i32
    return %arg0, %c0_i32 : i32, i32
  }
  func.func @transform_1(%arg0: i32) -> (i32, i32) {
    %c0_i32 = arith.constant 0 : i32
    %c0_i32_0 = arith.constant 0 : i32
    %c0_i32_1 = arith.constant 0 : i32
    return %c0_i32, %c0_i32_0 : i32, i32
  }
  func.func @transform_2(%arg0: i32) -> (i32, i32, i32) {
    %c0_i32 = arith.constant 0 : i32
    %c0_i32_0 = arith.constant 0 : i32
    %c0_i32_1 = arith.constant 0 : i32
    return %c0_i32, %arg0, %c0_i32_0 : i32, i32, i32
  }
  func.func @transform_3(%arg0: i32) -> (i32, i32) {
    %c0_i32 = arith.constant 0 : i32
    %c0_i32_0 = arith.constant 0 : i32
    return %arg0, %c0_i32 : i32, i32
  }
  func.func @transform_4(%arg0: i32) -> (i32, i32) {
    %c0_i32 = arith.constant 0 : i32
    %c0_i32_0 = arith.constant 0 : i32
    return %arg0, %c0_i32 : i32, i32
  }
}

module attributes {stable_mosaic.version = 14 : i64} {
  func.func @_mid_body(%arg0: i32, %arg1: memref<2x640x128xf32, #tpu.memory_space<vmem>>, %arg2: memref<640x128xf32, #tpu.memory_space<vmem>>, %arg3: memref<640x1xf32, #tpu.memory_space<vmem>>, %arg4: memref<1x128xf32, #tpu.memory_space<vmem>>, %arg5: memref<128x128xf32, #tpu.memory_space<vmem>>, %arg6: memref<640x128xf32, #tpu.memory_space<vmem>>) attributes {dimension_semantics = [#tpu.dimension_semantics<arbitrary>], iteration_bounds = array<i64: 16>, scalar_prefetch = 0 : i64, scratch_operands = 0 : i64, tpu.core_type = #tpu.core_type<tc>, window_params = [{transform_indices = @transform_0, window_bounds = array<i64: 2, 640, 128>}, {transform_indices = @transform_1, window_bounds = array<i64: 640, 128>}, {transform_indices = @transform_2, window_bounds = array<i64: 640, 1>}, {pipeline_mode = #tpu.pipeline_mode<synchronous>, transform_indices = @transform_3, window_bounds = array<i64: 1, 128>}, {pipeline_mode = #tpu.pipeline_mode<synchronous>, transform_indices = @transform_4, window_bounds = array<i64: 128, 128>}, {transform_indices = @transform_5, window_bounds = array<i64: 640, 128>}]} {
    %get3A = arith.constant 0 : index
    %get3A_0 = arith.constant 0 : index
    %get3A_1 = vector.load %arg3[%get3A, %get3A_0] : memref<640x1xf32, #tpu.memory_space<vmem>>, vector<640x1xf32>
    %get3A_2 = arith.constant 0 : index
    %get3A_3 = arith.constant 0 : index
    %get3A_4 = arith.constant 0 : index
    %get3A_5 = vector.load %arg1[%get3A_2, %get3A_3, %get3A_4] : memref<2x640x128xf32, #tpu.memory_space<vmem>>, vector<1x640x128xf32>
    %get3A_6 = vector.shape_cast %get3A_5 : vector<1x640x128xf32> to vector<640x128xf32>
    %get3A_7 = arith.constant 1 : index
    %get3A_8 = arith.constant 0 : index
    %get3A_9 = arith.constant 0 : index
    %get3A_10 = vector.load %arg1[%get3A_7, %get3A_8, %get3A_9] : memref<2x640x128xf32, #tpu.memory_space<vmem>>, vector<1x640x128xf32>
    %get3A_11 = vector.shape_cast %get3A_10 : vector<1x640x128xf32> to vector<640x128xf32>
    %add3A = arith.addf %get3A_6, %get3A_11 : vector<640x128xf32>
    %get3A_12 = arith.constant 0 : index
    %get3A_13 = arith.constant 0 : index
    %get3A_14 = vector.load %arg2[%get3A_12, %get3A_13] : memref<640x128xf32, #tpu.memory_space<vmem>>, vector<640x128xf32>
    %add3A_15 = arith.addf %add3A, %get3A_14 : vector<640x128xf32>
    %mul3A = vector.broadcast %get3A_1 : vector<640x1xf32> to vector<640x128xf32>
    %mul3A_16 = arith.mulf %mul3A, %add3A_15 : vector<640x128xf32>
    %get3A_17 = arith.constant 0 : index
    %get3A_18 = arith.constant 0 : index
    %get3A_19 = vector.load %arg4[%get3A_17, %get3A_18] : memref<1x128xf32, #tpu.memory_space<vmem>>, vector<1x128xf32>
    %add3A_20 = vector.broadcast %get3A_19 : vector<1x128xf32> to vector<640x128xf32>
    %add3A_21 = arith.addf %mul3A_16, %add3A_20 : vector<640x128xf32>
    %max3A = arith.constant 0.000000e+00 : f32
    %max3A_22 = vector.broadcast %max3A : f32 to vector<640x128xf32>
    %max3A_23 = arith.maximumf %add3A_21, %max3A_22 : vector<640x128xf32>
    %get3A_24 = arith.constant 0 : index
    %get3A_25 = arith.constant 0 : index
    %get3A_26 = vector.load %arg5[%get3A_24, %get3A_25] : memref<128x128xf32, #tpu.memory_space<vmem>>, vector<128x128xf32>
    %dot_general3A = arith.constant dense<0.000000e+00> : vector<640x128xf32>
    %dot_general3A_27 = tpu.matmul %max3A_23, %get3A_26, %dot_general3A {dimension_numbers = #tpu.dot_dimension_numbers<[1], [0], [0], [1], [0, 0, 1, 1], [], []>, transpose_lhs_hint = false} : vector<640x128xf32>, vector<128x128xf32>, vector<640x128xf32> -> vector<640x128xf32>
    %mul3A_28 = vector.broadcast %get3A_1 : vector<640x1xf32> to vector<640x128xf32>
    %mul3A_29 = arith.mulf %dot_general3A_27, %mul3A_28 : vector<640x128xf32>
    %swap3A = arith.constant 0 : index
    %swap3A_30 = arith.constant 0 : index
    %swap3A_31 = vector.load %arg6[%swap3A, %swap3A_30] : memref<640x128xf32, #tpu.memory_space<vmem>>, vector<640x128xf32>
    tpu.vector_store %arg6[%swap3A, %swap3A_30], %mul3A_29 {strides = array<i32>} : memref<640x128xf32, #tpu.memory_space<vmem>>, vector<640x128xf32>,
    return
  }
  func.func @transform_0(%arg0: i32) -> (i32, i32, i32) {
    %c0_i32 = arith.constant 0 : i32
    %c0_i32_0 = arith.constant 0 : i32
    %c0_i32_1 = arith.constant 0 : i32
    return %c0_i32, %arg0, %c0_i32_0 : i32, i32, i32
  }
  func.func @transform_1(%arg0: i32) -> (i32, i32) {
    %c0_i32 = arith.constant 0 : i32
    %c0_i32_0 = arith.constant 0 : i32
    return %arg0, %c0_i32 : i32, i32
  }
  func.func @transform_2(%arg0: i32) -> (i32, i32) {
    %c0_i32 = arith.constant 0 : i32
    %c0_i32_0 = arith.constant 0 : i32
    return %arg0, %c0_i32 : i32, i32
  }
  func.func @transform_3(%arg0: i32) -> (i32, i32) {
    %c0_i32 = arith.constant 0 : i32
    %c0_i32_0 = arith.constant 0 : i32
    %c0_i32_1 = arith.constant 0 : i32
    return %c0_i32, %c0_i32_0 : i32, i32
  }
  func.func @transform_4(%arg0: i32) -> (i32, i32) {
    %c0_i32 = arith.constant 0 : i32
    %c0_i32_0 = arith.constant 0 : i32
    %c0_i32_1 = arith.constant 0 : i32
    return %c0_i32, %c0_i32_0 : i32, i32
  }
  func.func @transform_5(%arg0: i32) -> (i32, i32) {
    %c0_i32 = arith.constant 0 : i32
    %c0_i32_0 = arith.constant 0 : i32
    return %arg0, %c0_i32 : i32, i32
  }
}

module attributes {stable_mosaic.version = 14 : i64} {
  func.func @_final_body(%arg0: i32, %arg1: memref<2x640x128xf32, #tpu.memory_space<vmem>>, %arg2: memref<640x128xf32, #tpu.memory_space<vmem>>, %arg3: memref<640x1xf32, #tpu.memory_space<vmem>>, %arg4: memref<1x128xf32, #tpu.memory_space<vmem>>, %arg5: memref<1x640x1xi32, #tpu.memory_space<vmem>>, %arg6: memref<128x10xf32, #tpu.memory_space<vmem>>, %arg7: memref<1x10xf32, #tpu.memory_space<vmem>>, %arg8: memref<64x10xf32, #tpu.memory_space<vmem>>, %arg9: memref<64x128xf32, #tpu.memory_space<vmem>>, %arg10: memref<64x1xf32, #tpu.memory_space<vmem>>) attributes {dimension_semantics = [#tpu.dimension_semantics<arbitrary>], iteration_bounds = array<i64: 16>, scalar_prefetch = 0 : i64, scratch_operands = 2 : i64, tpu.core_type = #tpu.core_type<tc>, window_params = [{transform_indices = @transform_0, window_bounds = array<i64: 2, 640, 128>}, {transform_indices = @transform_1, window_bounds = array<i64: 640, 128>}, {transform_indices = @transform_2, window_bounds = array<i64: 640, 1>}, {pipeline_mode = #tpu.pipeline_mode<synchronous>, transform_indices = @transform_3, window_bounds = array<i64: 1, 128>}, {transform_indices = @transform_4, window_bounds = array<i64: 1, 640, 1>}, {pipeline_mode = #tpu.pipeline_mode<synchronous>, transform_indices = @transform_5, window_bounds = array<i64: 128, 10>}, {pipeline_mode = #tpu.pipeline_mode<synchronous>, transform_indices = @transform_6, window_bounds = array<i64: 1, 10>}, {pipeline_mode = #tpu.pipeline_mode<synchronous>, transform_indices = @transform_7, window_bounds = array<i64: 64, 10>}]} {
    %eq3A = arith.constant 0 : i32
    %eq3A_0 = arith.cmpi eq, %arg0, %eq3A : i32
    %convert_element_type3A = arith.extui %eq3A_0 : i1 to i32
    %cond3A = arith.constant 0 : i32
    %cond3A_1 = arith.cmpi ne, %convert_element_type3A, %cond3A : i32
    scf.if %cond3A_1 {
      %broadcast_in_dim3A_55 = arith.constant 0.000000e+00 : f32
      %broadcast_in_dim3A_56 = vector.broadcast %broadcast_in_dim3A_55 : f32 to vector<64x128xf32>
      %swap3A_57 = arith.constant 0 : index
      %swap3A_58 = arith.constant 0 : index
      %swap3A_59 = vector.load %arg9[%swap3A_57, %swap3A_58] : memref<64x128xf32, #tpu.memory_space<vmem>>, vector<64x128xf32>
      tpu.vector_store %arg9[%swap3A_57, %swap3A_58], %broadcast_in_dim3A_56 {strides = array<i32>} : memref<64x128xf32, #tpu.memory_space<vmem>>, vector<64x128xf32>,
      %broadcast_in_dim3A_60 = arith.constant 0.000000e+00 : f32
      %broadcast_in_dim3A_61 = vector.broadcast %broadcast_in_dim3A_60 : f32 to vector<64x1xf32>
      %swap3A_62 = arith.constant 0 : index
      %swap3A_63 = arith.constant 0 : index
      %swap3A_64 = vector.load %arg10[%swap3A_62, %swap3A_63] : memref<64x1xf32, #tpu.memory_space<vmem>>, vector<64x1xf32>
      tpu.vector_store %arg10[%swap3A_62, %swap3A_63], %broadcast_in_dim3A_61 {strides = array<i32>} : memref<64x1xf32, #tpu.memory_space<vmem>>, vector<64x1xf32>,
    } else {
    }
    %get3A = arith.constant 0 : index
    %get3A_2 = arith.constant 0 : index
    %get3A_3 = vector.load %arg3[%get3A, %get3A_2] : memref<640x1xf32, #tpu.memory_space<vmem>>, vector<640x1xf32>
    %get3A_4 = arith.constant 0 : index
    %get3A_5 = arith.constant 0 : index
    %get3A_6 = arith.constant 0 : index
    %get3A_7 = vector.load %arg1[%get3A_4, %get3A_5, %get3A_6] : memref<2x640x128xf32, #tpu.memory_space<vmem>>, vector<1x640x128xf32>
    %get3A_8 = vector.shape_cast %get3A_7 : vector<1x640x128xf32> to vector<640x128xf32>
    %get3A_9 = arith.constant 1 : index
    %get3A_10 = arith.constant 0 : index
    %get3A_11 = arith.constant 0 : index
    %get3A_12 = vector.load %arg1[%get3A_9, %get3A_10, %get3A_11] : memref<2x640x128xf32, #tpu.memory_space<vmem>>, vector<1x640x128xf32>
    %get3A_13 = vector.shape_cast %get3A_12 : vector<1x640x128xf32> to vector<640x128xf32>
    %add3A = arith.addf %get3A_8, %get3A_13 : vector<640x128xf32>
    %get3A_14 = arith.constant 0 : index
    %get3A_15 = arith.constant 0 : index
    %get3A_16 = vector.load %arg2[%get3A_14, %get3A_15] : memref<640x128xf32, #tpu.memory_space<vmem>>, vector<640x128xf32>
    %add3A_17 = arith.addf %add3A, %get3A_16 : vector<640x128xf32>
    %mul3A = vector.broadcast %get3A_3 : vector<640x1xf32> to vector<640x128xf32>
    %mul3A_18 = arith.mulf %mul3A, %add3A_17 : vector<640x128xf32>
    %get3A_19 = arith.constant 0 : index
    %get3A_20 = arith.constant 0 : index
    %get3A_21 = vector.load %arg4[%get3A_19, %get3A_20] : memref<1x128xf32, #tpu.memory_space<vmem>>, vector<1x128xf32>
    %add3A_22 = vector.broadcast %get3A_21 : vector<1x128xf32> to vector<640x128xf32>
    %add3A_23 = arith.addf %mul3A_18, %add3A_22 : vector<640x128xf32>
    %get3A_24 = arith.constant 0 : index
    %get3A_25 = arith.constant 0 : index
    %get3A_26 = arith.constant 0 : index
    %get3A_27 = vector.load %arg5[%get3A_24, %get3A_25, %get3A_26] : memref<1x640x1xi32, #tpu.memory_space<vmem>>, vector<1x640x1xi32>
    %get3A_28 = vector.shape_cast %get3A_27 : vector<1x640x1xi32> to vector<640x1xi32>
    %iota3A = tpu.iota {dimensions = array<i32: 1>} : vector<640x64xi32>
    %eq3A_29 = vector.broadcast %get3A_28 : vector<640x1xi32> to vector<640x64xi32>
    %eq3A_30 = arith.cmpi eq, %eq3A_29, %iota3A : vector<640x64xi32>
    %convert_element_type3A_31 = arith.extui %eq3A_30 : vector<640x64xi1> to vector<640x64xi32>
    %convert_element_type3A_32 = arith.sitofp %convert_element_type3A_31 : vector<640x64xi32> to vector<640x64xf32>
    %get3A_33 = arith.constant 0 : index
    %get3A_34 = arith.constant 0 : index
    %get3A_35 = vector.load %arg9[%get3A_33, %get3A_34] : memref<64x128xf32, #tpu.memory_space<vmem>>, vector<64x128xf32>
    %dot_general3A = arith.constant dense<0.000000e+00> : vector<64x128xf32>
    %dot_general3A_36 = tpu.matmul %convert_element_type3A_32, %add3A_23, %dot_general3A {dimension_numbers = #tpu.dot_dimension_numbers<[0], [0], [1], [1], [0, 1, 1, 1], [], []>, transpose_lhs_hint = false} : vector<640x64xf32>, vector<640x128xf32>, vector<64x128xf32> -> vector<64x128xf32>
    %add3A_37 = arith.addf %get3A_35, %dot_general3A_36 : vector<64x128xf32>
    %swap3A = arith.constant 0 : index
    %swap3A_38 = arith.constant 0 : index
    %swap3A_39 = vector.load %arg9[%swap3A, %swap3A_38] : memref<64x128xf32, #tpu.memory_space<vmem>>, vector<64x128xf32>
    tpu.vector_store %arg9[%swap3A, %swap3A_38], %add3A_37 {strides = array<i32>} : memref<64x128xf32, #tpu.memory_space<vmem>>, vector<64x128xf32>,
    %broadcast_in_dim3A = arith.constant 1.000000e+00 : f32
    %broadcast_in_dim3A_40 = vector.broadcast %broadcast_in_dim3A : f32 to vector<640x1xf32>
    %get3A_41 = arith.constant 0 : index
    %get3A_42 = arith.constant 0 : index
    %get3A_43 = vector.load %arg10[%get3A_41, %get3A_42] : memref<64x1xf32, #tpu.memory_space<vmem>>, vector<64x1xf32>
    %dot_general3A_44 = arith.constant dense<0.000000e+00> : vector<64x1xf32>
    %dot_general3A_45 = tpu.matmul %convert_element_type3A_32, %broadcast_in_dim3A_40, %dot_general3A_44 {dimension_numbers = #tpu.dot_dimension_numbers<[0], [0], [1], [1], [0, 1, 1, 1], [], []>, transpose_lhs_hint = false} : vector<640x64xf32>, vector<640x1xf32>, vector<64x1xf32> -> vector<64x1xf32>
    %add3A_46 = arith.addf %get3A_43, %dot_general3A_45 : vector<64x1xf32>
    %swap3A_47 = arith.constant 0 : index
    %swap3A_48 = arith.constant 0 : index
    %swap3A_49 = vector.load %arg10[%swap3A_47, %swap3A_48] : memref<64x1xf32, #tpu.memory_space<vmem>>, vector<64x1xf32>
    tpu.vector_store %arg10[%swap3A_47, %swap3A_48], %add3A_46 {strides = array<i32>} : memref<64x1xf32, #tpu.memory_space<vmem>>, vector<64x1xf32>,
    %eq3A_50 = arith.constant 15 : i32
    %eq3A_51 = arith.cmpi eq, %arg0, %eq3A_50 : i32
    %convert_element_type3A_52 = arith.extui %eq3A_51 : i1 to i32
    %cond3A_53 = arith.constant 0 : i32
    %cond3A_54 = arith.cmpi ne, %convert_element_type3A_52, %cond3A_53 : i32
    scf.if %cond3A_54 {
      %get3A_55 = arith.constant 0 : index
      %get3A_56 = arith.constant 0 : index
      %get3A_57 = vector.load %arg9[%get3A_55, %get3A_56] : memref<64x128xf32, #tpu.memory_space<vmem>>, vector<64x128xf32>
      %get3A_58 = arith.constant 0 : index
      %get3A_59 = arith.constant 0 : index
      %get3A_60 = vector.load %arg10[%get3A_58, %get3A_59] : memref<64x1xf32, #tpu.memory_space<vmem>>, vector<64x1xf32>
      %max3A = arith.constant 1.000000e+00 : f32
      %max3A_61 = vector.broadcast %max3A : f32 to vector<64x1xf32>
      %max3A_62 = arith.maximumf %get3A_60, %max3A_61 : vector<64x1xf32>
      %div3A = vector.broadcast %max3A_62 : vector<64x1xf32> to vector<64x128xf32>
      %div3A_63 = arith.divf %get3A_57, %div3A : vector<64x128xf32>
      %get3A_64 = arith.constant 0 : index
      %get3A_65 = arith.constant 0 : index
      %get3A_66 = vector.load %arg6[%get3A_64, %get3A_65] : memref<128x10xf32, #tpu.memory_space<vmem>>, vector<128x10xf32>
      %dot_general3A_67 = arith.constant dense<0.000000e+00> : vector<64x10xf32>
      %dot_general3A_68 = tpu.matmul %div3A_63, %get3A_66, %dot_general3A_67 {dimension_numbers = #tpu.dot_dimension_numbers<[1], [0], [0], [1], [0, 0, 1, 1], [], []>, transpose_lhs_hint = false} : vector<64x128xf32>, vector<128x10xf32>, vector<64x10xf32> -> vector<64x10xf32>
      %get3A_69 = arith.constant 0 : index
      %get3A_70 = arith.constant 0 : index
      %get3A_71 = vector.load %arg7[%get3A_69, %get3A_70] : memref<1x10xf32, #tpu.memory_space<vmem>>, vector<1x10xf32>
      %add3A_72 = vector.broadcast %get3A_71 : vector<1x10xf32> to vector<64x10xf32>
      %add3A_73 = arith.addf %dot_general3A_68, %add3A_72 : vector<64x10xf32>
      %reduce_max3A = arith.constant dense<0xFF800000> : vector<64xf32>
      %reduce_max3A_74 = vector.multi_reduction <maximumf>, %add3A_73, %reduce_max3A [1] : vector<64x10xf32> to vector<64xf32>
      %broadcast_in_dim3A_75 = vector.shape_cast %reduce_max3A_74 : vector<64xf32> to vector<64x1xf32>
      %sub3A = vector.broadcast %broadcast_in_dim3A_75 : vector<64x1xf32> to vector<64x10xf32>
      %sub3A_76 = arith.subf %add3A_73, %sub3A : vector<64x10xf32>
      %exp3A = math.exp %sub3A_76 : vector<64x10xf32>
      %reduce_sum3A = arith.constant dense<0.000000e+00> : vector<64xf32>
      %reduce_sum3A_77 = vector.multi_reduction <add>, %exp3A, %reduce_sum3A [1] : vector<64x10xf32> to vector<64xf32>
      %broadcast_in_dim3A_78 = vector.shape_cast %reduce_sum3A_77 : vector<64xf32> to vector<64x1xf32>
      %log3A = math.log %broadcast_in_dim3A_78 : vector<64x1xf32>
      %sub3A_79 = vector.broadcast %log3A : vector<64x1xf32> to vector<64x10xf32>
      %sub3A_80 = arith.subf %sub3A_76, %sub3A_79 : vector<64x10xf32>
      %swap3A_81 = arith.constant 0 : index
      %swap3A_82 = arith.constant 0 : index
      %swap3A_83 = vector.load %arg8[%swap3A_81, %swap3A_82] : memref<64x10xf32, #tpu.memory_space<vmem>>, vector<64x10xf32>
      tpu.vector_store %arg8[%swap3A_81, %swap3A_82], %sub3A_80 {strides = array<i32>} : memref<64x10xf32, #tpu.memory_space<vmem>>, vector<64x10xf32>,
    } else {
    }
    return
  }
  func.func @transform_0(%arg0: i32) -> (i32, i32, i32) {
    %c0_i32 = arith.constant 0 : i32
    %c0_i32_0 = arith.constant 0 : i32
    %c0_i32_1 = arith.constant 0 : i32
    return %c0_i32, %arg0, %c0_i32_0 : i32, i32, i32
  }
  func.func @transform_1(%arg0: i32) -> (i32, i32) {
    %c0_i32 = arith.constant 0 : i32
    %c0_i32_0 = arith.constant 0 : i32
    return %arg0, %c0_i32 : i32, i32
  }
  func.func @transform_2(%arg0: i32) -> (i32, i32) {
    %c0_i32 = arith.constant 0 : i32
    %c0_i32_0 = arith.constant 0 : i32
    return %arg0, %c0_i32 : i32, i32
  }
  func.func @transform_3(%arg0: i32) -> (i32, i32) {
    %c0_i32 = arith.constant 0 : i32
    %c0_i32_0 = arith.constant 0 : i32
    %c0_i32_1 = arith.constant 0 : i32
    return %c0_i32, %c0_i32_0 : i32, i32
  }
  func.func @transform_4(%arg0: i32) -> (i32, i32, i32) {
    %c0_i32 = arith.constant 0 : i32
    %c0_i32_0 = arith.constant 0 : i32
    %c0_i32_1 = arith.constant 0 : i32
    return %arg0, %c0_i32, %c0_i32_0 : i32, i32, i32
  }
  func.func @transform_5(%arg0: i32) -> (i32, i32) {
    %c0_i32 = arith.constant 0 : i32
    %c0_i32_0 = arith.constant 0 : i32
    %c0_i32_1 = arith.constant 0 : i32
    return %c0_i32, %c0_i32_0 : i32, i32
  }
  func.func @transform_6(%arg0: i32) -> (i32, i32) {
    %c0_i32 = arith.constant 0 : i32
    %c0_i32_0 = arith.constant 0 : i32
    %c0_i32_1 = arith.constant 0 : i32
    return %c0_i32, %c0_i32_0 : i32, i32
  }
  func.func @transform_7(%arg0: i32) -> (i32, i32) {
    %c0_i32 = arith.constant 0 : i32
    %c0_i32_0 = arith.constant 0 : i32
    %c0_i32_1 = arith.constant 0 : i32
    return %c0_i32, %c0_i32_0 : i32, i32
  }
}

</mosaic_0001>

<sc_bundles>
// kernel: kernel.10.cloned.1.call-start
scs
__scs_entry_jumppad:
0x0: {  	(pc) =	sbr.rel $0x88, $3  }
0x1: {  	(tag) =	ssettag $0x0;
	lr =	simm.s32 $0x1  }
0x2: {  	[smem:$0x3F96] =	sst lr;
	_ =	strace $0xD0000000  }
0x3: {  	_ = 	snop  }
0x4: {  	_ = 	snop  }
0x5: {  	_ = 	snop  }
0x6: {  	_ = 	snop  }
0x7: {  	_ = 	snop  }
__scs_overlays_trampoline_lowered:
0x8: {  	[smem:$0x3FA5] =	sst s0  }
0x9: {  	[smem:$0x3FA6] =	sst s1  }
0xa: {  	[smem:$0x3FA7] =	sst s2  }
0xb: {  	[smem:$0x3FA8] =	sst s3  }
0xc: {  	[smem:$0x3FA9] =	sst s4  }
0xd: {  	[smem:$0x3FAA] =	sst s5  }
0xe: {  	[smem:$0x3FAB] =	sst s6  }
0xf: {  	[smem:$0x3FAC] =	sst s7  }
0x10: {  	[smem:$0x3FAD] =	sst s8  }
0x11: {  	[smem:$0x3FAE] =	sst s9;
	s0 =	simm.s32 @!p0 $0x0  }
0x12: {  	s1 =	sld [smem:$0x3F94];
	s0 =	simm.s32 @p0 $0x1  }
0x13: {  	[smem:$0x3FAF] =	sst s0;
	s0 =	simm.s32 @!p1 $0x0  }
0x14: {  	s2 =	sld [smem:$0x3F93];
	s0 =	simm.s32 @p1 $0x1  }
0x15: {  	[smem:$0x3FB0] =	sst s0;
	s0 =	simm.s32 @!p2 $0x0  }
0x16: {  	s3 =	sld [smem:$0x3FDB];
	s0 =	simm.s32 @p2 $0x1  }
0x17: {  	s4 =	simm.s32 $0x1BF5;
	[smem:$0x3FB2] =	sst s0  }
0x18: {  	s0 =	sld [smem:$0x3F95];
	_ =	swait.ge [sflag:s4], $0x0  }
0x19: {  	s7 =	sld [smem:$0x3F96]  }
0x1a: {  	s8 =	sadd.s32 $0xFFFFE003, lr  }
0x1b: {  	s9 =	sadd.s32 $0xFFFFFEF7, lr;
	s5 =	simm.s32 $0xFFFFFFFF;
	p2 =	slt.u32 s8, $0xFFFFF086  }
0x1c: {  	p1 =	slt.u32 s9, $0xF7A;
	s5 =	simm.s32 @!p2 $0x0  }
0x1d: {  	s5 =	simm.s32 @p1 $0x1;
	p0 =	seq.s32 s7, s2  }
0x1e: {  	s7 =	smul.u32 @!p0 $0xF7A, s2;
	p2 =	seq.s32 @!p0 s5, $0x0  }
0x1f: {  	s9 =	smul.u32 $0xF7A, s1;
	s8 =	simm.s32 @!p0 $0x1BF5;
	p2 =	por !p2, p0  }
0x20: {  	[sflag:s8] =	ssyncset.s32 @!p0 $0xFFFFF086;
	s6 =	sadd.s32 @!p0 s3, s7;
	s7 =	simm.s32 @!p0 $0x108  }
0x21: {  	s3 =	sadd.s32 s3, s9;
	s6 =	sadd.s32 @!p0 $0x88, s6;
	s7 =	simm.s32 @p2 $0x1082  }
0x22: {  	[simem:s7], [sflag:s8] =	dma.local @!p0 [hbm:s6], $0xF7A  }
0x23: {  	s9 =	sor.u32 $0xD0000000, s2;
	s6 =	simm.s32 $0x108;
	_ =	swait.ge @!p0 [sflag:s8], $0x0  }
0x24: {  	s3 =	sadd.s32 $0x88, s3;
	s6 =	simm.s32 @!p1 $0x1082;
	[sflag:s4] =	ssyncset.s32 $0xFFFFF086  }
0x25: {  	[simem:s6], [sflag:s4] =	dma.local [hbm:s3], $0xF7A  }
0x26: {  	[smem:$0x3F96] =	sst s1;
	(tag) =	ssettag s2;
	_ =	strace s9  }
0x27: {  	s1 =	sld [smem:$0x3FA6]  }
0x28: {  	s2 =	sld [smem:$0x3FA7]  }
0x29: {  	s4 =	sld [smem:$0x3FA9]  }
0x2a: {  	p0 =	seq.s32 s5, $0x0;
	s5 =	sld [smem:$0x3FAA]  }
0x2b: {  	s6 =	sld [smem:$0x3FAB]  }
0x2c: {  	s7 =	sld [smem:$0x3FAC]  }
0x2d: {  	s3 =	simm.s32 $0x108;
	s8 =	sld [smem:$0x3FAD]  }
0x2e: {  	s3 =	simm.s32 @!p0 $0x1082;
	s9 =	sld [smem:$0x3FAE]  }
0x2f: {  	lr =	sadd.s32 s0, s3;
	s0 =	sld [smem:$0x3FA5]  }
0x30: {  	s3 =	sld [smem:$0x3FA8]  }
0x31: {  	[smem:$0x3FB1] =	sst s10  }
0x32: {  	s10 =	sld [smem:$0x3FAF];
	_ =	sdelay $0x3  }
0x33: {  	p0 =	seq.s32 s10, $0x1;
	s10 =	sld [smem:$0x3FB1];
	_ =	sdelay $0x3  }
0x34: {  	[smem:$0x3FB1] =	sst s10  }
0x35: {  	s10 =	sld [smem:$0x3FB0];
	_ =	sdelay $0x3  }
0x36: {  	p1 =	seq.s32 s10, $0x1;
	s10 =	sld [smem:$0x3FB1];
	_ =	sdelay $0x3  }
0x37: {  	[smem:$0x3FB1] =	sst s10  }
0x38: {  	s10 =	sld [smem:$0x3FB2]  }
0x39: {  	_ = 	snop;
	(pc) =	sbr.ind lr, $3  }
0x3a: {  	_ = 	snop  }
0x3b: {  	_ = 	snop  }
0x3c: {  	p2 =	seq.s32 s10, $0x1;
	s10 =	sld [smem:$0x3FB1]  }
0x3d: {  	_ =	shalt  }
0x3e: {  	_ =	shalt  }
0x3f: {  	_ =	shalt  }
0x40: {  	_ =	shalt  }
0x41: {  	_ =	shalt  }
0x42: {  	_ =	shalt  }
0x43: {  	_ =	shalt  }
0x44: {  	_ =	shalt  }
0x45: {  	_ =	shalt  }
0x46: {  	_ =	shalt  }
0x47: {  	_ =	shalt  }
0x48: {  	_ =	shalt  }
0x49: {  	_ =	shalt  }
0x4a: {  	_ =	shalt  }
0x4b: {  	_ =	shalt  }
0x4c: {  	_ =	shalt  }
0x4d: {  	_ =	shalt  }
0x4e: {  	_ =	shalt  }
0x4f: {  	_ =	shalt  }
0x50: {  	_ =	shalt  }
0x51: {  	_ =	shalt  }
0x52: {  	_ =	shalt  }
0x53: {  	_ =	shalt  }
0x54: {  	_ =	shalt  }
0x55: {  	_ =	shalt  }
0x56: {  	_ =	shalt  }
0x57: {  	_ =	shalt  }
0x58: {  	_ =	shalt  }
0x59: {  	_ =	shalt  }
0x5a: {  	_ =	shalt  }
0x5b: {  	_ =	shalt  }
0x5c: {  	_ =	shalt  }
0x5d: {  	_ =	shalt  }
0x5e: {  	_ =	shalt  }
0x5f: {  	_ =	shalt  }
0x60: {  	_ =	shalt  }
0x61: {  	_ =	shalt  }
0x62: {  	_ =	shalt  }
0x63: {  	_ =	shalt  }
0x64: {  	_ =	shalt  }
0x65: {  	_ =	shalt  }
0x66: {  	_ =	shalt  }
0x67: {  	_ =	shalt  }
0x68: {  	_ =	shalt  }
0x69: {  	_ =	shalt  }
0x6a: {  	_ =	shalt  }
0x6b: {  	_ =	shalt  }
0x6c: {  	_ =	shalt  }
0x6d: {  	_ =	shalt  }
0x6e: {  	_ =	shalt  }
0x6f: {  	_ =	shalt  }
0x70: {  	_ =	shalt  }
0x71: {  	_ =	shalt  }
0x72: {  	_ =	shalt  }
0x73: {  	_ =	shalt  }
0x74: {  	_ =	shalt  }
0x75: {  	_ =	shalt  }
0x76: {  	_ =	shalt  }
0x77: {  	_ =	shalt  }
0x78: {  	_ =	shalt  }
0x79: {  	_ =	shalt  }
0x7a: {  	_ =	shalt  }
0x7b: {  	_ =	shalt  }
0x7c: {  	_ =	shalt  }
0x7d: {  	_ =	shalt  }
0x7e: {  	_ =	shalt  }
0x7f: {  	_ =	shalt  }
0x80: {  	_ =	shalt  }
0x81: {  	_ =	shalt  }
0x82: {  	_ =	shalt  }
0x83: {  	_ =	shalt  }
0x84: {  	_ =	shalt  }
0x85: {  	_ =	shalt  }
0x86: {  	_ =	shalt  }
0x87: {  	_ =	shalt  }
.Lfunc_end0:
.L_simem_size_0:
called_computation_lowered:
.L_overlay_start_0:
0x88: {  	s2 =	sld [smem:$0x3FD9]  }
0x89: {  	s3 =	sld [smem:$0x3FFE];
	_ =	sdelay $0x1  }
0x8a: {  	s1 =	srdreg.scid  }
0x8b: {  	s0 =	sand.u32 $0x1, s1  }
0x8c: {  	s17 =	sshll.u32 s0, $0xA;
	s2 =	sadd.s32 s3, s2  }
0x8d: {  	s2 =	sadd.s32 s2, s17  }
0x8e: {  	[smem:$0x3FBD] =	sst s2  }
0x8f: {  	_ = 	snop  }
0x90: {  	s2 =	sld [smem:$0x3FD0];
	(tm) =	ssettm $0x1  }
0x91: {  	s18 =	sld [smem:$0x3FFB];
	_ =	sdelay $0x3  }
0x92: {  	_ =	strace s18  }
0x93: {  	s3 =	sld [smem:$0x3FFC];
	_ =	sdelay $0x3  }
0x94: {  	_ =	strace s3  }
0x95: {  	s3 =	sld [smem:$0x3FFD];
	_ =	sdelay $0x3  }
0x96: {  	_ =	strace s3  }
0x97: {  	_ =	strace $0x8FFFFFFF  }
0x98: {  	s19 =	sld [smem:$0x3FDB];
	_ =	sdelay $0x1  }
0x99: {  	s4 =	simm.s32 $_scs_section_size  }
0x9a: {  	s5 =	simm.s32 $_size__tile_overlayer_lowered;
	s6 =	simm.s32 $_tile_overlayer_lowered  }
0x9b: {  	s22 =	simm.s32 $0x1BFF;
	s21 =	sshll.u32 s6, $0x1;
	s3 =	sadd.s32 s4, s19  }
0x9c: {  	s7 =	simm.s32 $0x0;
	s20 =	sshll.u32 s5, $0x1;
	s5 =	sadd.s32 s21, s3  }
0x9d: {  	[timem:s7], [sflag:s22] =	dma.local [hbm:s5], s20  }
0x9e: {  	_ =	swait.ge [sflag:s22], s20  }
0x9f: {  	s4 =	ssub.s32 $0x0, s20;
	[sflag:s22] =	ssyncset.done $0x0  }
0xa0: {  	[sflag:s22] =	ssyncadd.s32 s4;
	_ =	sdelay $0x1  }
0xa1: {  	s23 =	simm.s32 $0x1B8B  }
0xa2: {  	_ =	swait.ge [sflag:s23], $0x1  }
0xa3: {  	[sflag:s23] =	ssyncset.done $0x0  }
0xa4: {  	s25 =	simm.s32 $0x1B8E;
	s24 =	sld [smem:$0x3FFE];
	[sflag:s23] =	ssyncadd.s32 $0xFFFFFFFF  }
0xa5: {  	s26 =	simm.s32 $execute0_lowered;
	[smem:$0x3FD2] =	sst s25  }
0xa6: {  	s5 =	sshll.u32 s26, $0x1;
	_ =	strace $0x80000046;
	[dreg:$0x1] =	wrdreg $0xFFFFFFFF  }
0xa7: {  	s28 =	simm.s32 $_size_execute0_lowered;
	s3 =	sadd.s32 s3, s5;
	[dreg:$0x0] =	wrdreg $0x0  }
0xa8: {  	s5 =	sshll.u32 s28, $0x1;
	[dreg:$0x2] =	wrdreg s3  }
0xa9: {  	[dreg:$0x3] =	wrdreg s5  }
0xaa: {  	[dreg:$0x4] =	wrdreg $0xC0  }
0xab: {  	_ =	task [dreg:s7], $0x5FFFF  }
0xac: {  	[dreg:$0x1] =	wrdreg $0xFFFFFFFF  }
0xad: {  	[dreg:$0x0] =	wrdreg $0x60  }
0xae: {  	[dreg:$0x2] =	wrdreg s24  }
0xaf: {  	[dreg:$0x3] =	wrdreg s2  }
0xb0: {  	[dreg:$0x4] =	wrdreg $0x1000  }
0xb1: {  	[dreg:$0x5] =	wrdreg $0x9  }
0xb2: {  	_ =	task.clear_ibuf [dreg:s7], $0x6FFFF;
	_ =	strace $0x90000046  }
0xb3: {  	s29 =	simm.s32 $0x9;
	_ =	strace $0x80000048  }
0xb4: {  	_ =	swait.ge [sflag:s29], $0x1  }
0xb5: {  	[sflag:s29] =	ssyncadd.s32 $0xFFFFFFFF  }
0xb6: {  	_ =	strace $0x90000048  }
0xb7: {  	_ =	sfence  }
0xb8: {  	s30 =	sld [smem:$0x0];
	_ =	sdelay $0x2  }
0xb9: {  	s31 =	sshll.u32 s1, $0xD;
	s1 =	sshrl.u32 s1, $0x2  }
0xba: {  	s3 =	sand.u32 $0x4000, s31;
	s1 =	sadd.s32 s1, s30  }
0xbb: {  	s0 =	sor.u32 s3, s0;
	s1 =	sshll.u32 s1, $0x11  }
0xbc: {  	s0 =	sor.u32 s1, s0  }
0xbd: {  	s0 =	sadd.s32 $0x8F2B, s0  }
0xbe: {  	[sflag:s0] =	ssyncadd.remote.s32 $0x1  }
0xbf: {  	_ =	sfence.sel $0xFFFF  }
0xc0: {  	[dreg:$0x0] =	wrdreg $0xFFFFFFFF;
	(pc) =	sbr.abs _section_cstart, $3  }
0xc1: {  	[dreg:$0x1] =	wrdreg $0xFFFFFFFF  }
0xc2: {  	_ =	task.clear_ibuf [dreg:s7], $0x2FFFF;
	_ =	strace $0x9FFFFFFF  }
0xc3: {  	(tm) =	ssettm $0x7FFFFFFF  }
tec
execute0_lowered:
.L_overlay_start_1:
0x0: {  	(tag) =	ssettag $0x1  }
0x1: {  	s5 =	rddreg [dreg:$0x0]  }
0x2: {  	s1 =	srdreg.scid;
	s2 =	rddreg [dreg:$0x1]  }
0x3: {  	s0 =	stileid.u32;
	s3 =	rddreg [dreg:$0x2]  }
0x4: {  	s4 =	simm.s32 $0x0;
	s11 =	simm.s32 $0x50;
	s12 =	simm.s32 $0x80  }
0x5: {  	s13 =	simm.s32 $0x20;
	s14 =	simm.s32 $0x10;
	s7 =	smul.u32 $0x4E20, s0  }
0x6: {  	s6 =	sand.u32 $0x1, s1;
	s1 =	rddreg [dreg:$0x3];
	s9 =	smul.u32 $0x500, s0  }
0x7: {  	s15 =	simm.s32 $0x0;
	[smem:$0x7FF] =	sst s4;
	s25 =	smul.u32 $0xA00, s0  }
0x8: {  	s8 =	smul.u32 $0x2710, s6;
	s24 =	sshll.u32 s6, $0x7;
	s6 =	ssub.s32 $0x2, s6  }
0x9: {  	s31 =	sshll.u32 s0, $0x6;
	_ =	strace $0x80000047;
	s28 =	sshrl.u32 s6, $0x1  }
0xa: {  	s30 =	sshrl.u32 s25, $0x2;
	s7 =	sadd.s32 s8, s7;
	s8 =	sor.u32 s24, s9  }
0xb: {  	s29 =	ssub.s32 s6, s28;
	s9 =	sadd.s32 s30, s3;
	s7 =	sshrl.u32 s7, $0x3  }
0xc: {  	s8 =	sshrl.u32 s8, $0x3;
	s9 =	sshrl.u32 s9, $0x3;
	s10 =	sadd.s32 s7, s5  }
0xd: {  	s26 =	sadd.s32 s8, s5;
	s5 =	sor.u32 $0x1C01, s31;
	s7 =	smax.u32 s29, $0x1  }
0xe: {  	v0 =	vimm.f32 $1.000000000e+00;
	s6 =	sadd.s32 $0x16C00, s26;
	s8 =	sadd.s32 $0xCE00, s10;
	s10 =	simm.s32 $0x1  }
.LBB2_1:
0xf: {  	[tilespmem:$0x80] =	vst v0  }
0x10: {  	[tilespmem:$0x90] =	vst v0  }
0x11: {  	[tilespmem:$0xA0] =	vst v0  }
0x12: {  	[tilespmem:$0xB0] =	vst v0  }
0x13: {  	[tilespmem:$0xC0] =	vst v0  }
0x14: {  	[spmem:s9], [sflag:s5] =	dma.local [hbm:s2], $0x50  }
0x15: {  	_ =	swait.ge [sflag:s10], $0x50  }
0x16: {  	[sflag:s10] =	ssyncset.done $0x0  }
0x17: {  	[sflag:s10] =	ssyncadd.s32 $0xFFFFFFB0  }
0x18: {  	s16 =	sadd.s32 $0x0, s8;
	[bflag:$0x0] =	sbarrier.arrive $0xFFFF  }
0x19: {  	[tilespmem:s4], [sflag:$0x1] =	stream.linear.gather [hbm4b:s16+s4], $0x50, $0x38;
	[tilespmem:$0x380] =	vst v63  }
0x1a: {  	_ =	swait.ge [sflag:s10], $0x50  }
0x1b: {  	[sflag:s10] =	ssyncset.done $0x0  }
0x1c: {  	[sflag:s10] =	ssyncadd.s32 $0xFFFFFFB0  }
0x1d: {  	[spmem:s3] =	stream.indirect.scatter.add.f32 [tilespmem:s12], [sflag:$0x1], $0x1, s4, s11, $0xb8;
	[tilespmem:$0x380] =	vst v63  }
0x1e: {  	_ =	swait.ge [sflag:s10], $0x50  }
0x1f: {  	s17 =	simm.s32 $0x14;
	s16 =	simm.s32 $0xA;
	[sflag:s10] =	ssyncset.done $0x0  }
.LBB2_2:
0x20: {  	s18 =	sadd.s32 s16, s8  }
0x21: {  	[sflag:s10] =	ssyncadd.s32 $0xFFFFFFB0;
	s16 =	smov.u32 s17;
	s19 =	sadd.s32 $0xA, s17  }
0x22: {  	[tilespmem:s4], [sflag:$0x1] =	stream.linear.gather [hbm4b:s18+s4], $0x50, $0x38;
	[tilespmem:$0x380] =	vst v63  }
0x23: {  	p0 =	sne.s32 s17, $0x4D8;
	_ =	swait.ge [sflag:s10], $0x50  }
.Ltmp0:
0x24: {  	[sflag:s10] =	ssyncset.done $0x0;
	(pc) =	sbr.rel @p0 .LBB2_2-.Ltmp0, $4  }
0x25: {  	[sflag:s10] =	ssyncadd.s32 $0xFFFFFFB0  }
0x26: {  	[spmem:s3] =	stream.indirect.scatter.add.f32 [tilespmem:s12], [sflag:$0x1], $0x1, s4, s11, $0xb8;
	[tilespmem:$0x380] =	vst v63  }
0x27: {  	_ =	swait.ge [sflag:s10], $0x50  }
0x28: {  	s17 =	smov.u32 s19;
	[sflag:s10] =	ssyncset.done $0x0  }
0x29: {  	s16 =	sadd.s32 s16, s8;
	[sflag:s10] =	ssyncadd.s32 $0xFFFFFFB0  }
0x2a: {  	[tilespmem:s4], [sflag:$0x1] =	stream.linear.gather [hbm4b:s16+s4], $0x50, $0x38;
	[tilespmem:$0x380] =	vst v63  }
0x2b: {  	_ =	swait.ge [sflag:s10], $0x50  }
0x2c: {  	[sflag:s10] =	ssyncset.done $0x0  }
0x2d: {  	[sflag:s10] =	ssyncadd.s32 $0xFFFFFFB0  }
0x2e: {  	[spmem:s3] =	stream.indirect.scatter.add.f32 [tilespmem:s12], [sflag:$0x1], $0x1, s4, s11, $0xb8;
	[tilespmem:$0x380] =	vst v63  }
0x2f: {  	_ =	swait.ge [sflag:s10], $0x50  }
0x30: {  	s15 =	sadd.s32 $0x1, s15;
	[sflag:s10] =	ssyncset.done $0x0  }
0x31: {  	p0 =	sne.s32 s15, s7;
	[sflag:s10] =	ssyncadd.s32 $0xFFFFFFB0  }
.Ltmp1:
0x32: {  	[bflag:$0x0] =	sbarrier.arrive $0xFFFF;
	(pc) =	sbr.rel @p0 .LBB2_1-.Ltmp1, $4  }
0x33: {  	[hbm:s6@s13], [sflag:s5] =	dma.strided [spmem:s9@s14], $0x50, s10, $0x10   }
0x34: {  	_ =	swait.ge [sflag:s10], $0x50  }
0x35: {  	[sflag:s10] =	ssyncset.done $0x0  }
0x36: {  	[sflag:s10] =	ssyncadd.s32 $0xFFFFFFB0  }
0x37: {  	_ =	sfence.sel $0x180000  }
0x38: {  	[bflag:$0x0] =	sbarrier.arrive $0xFFFF  }
0x39: {  	p0 =	sne.s32 s0, $0x0;
	_ =	strace $0x90000047  }
0x3a: {  	s0 =	sadd.s32 @!p0 $0x100000, s1;
	[bflag:$0x2] =	sbarrier.arrive $0xFFFF  }
0x3b: {  	[sflag:s0] =	ssyncadd.tile.s32 @!p0 $0x1;
	_ =	shalt  }
.Lfunc_end2:
_tile_overlayer_lowered:
.L_overlay_start_2:
0x3c: {  	(tag) =	ssettag $0x2  }
0x3d: {  	s0 =	rddreg [dreg:$0x0];
	s2 =	stileid.u32  }
0x3e: {  	s1 =	rddreg [dreg:$0x1];
	p0 =	sne.s32 s2, $0x0  }
0x3f: {  	s3 =	rddreg [dreg:$0x2];
	[bflag:$0x3] =	sbarrier.arrive $0xFFFF;
	s2 =	simm.s32 @!p0 $0x1C01  }
0x40: {  	[timem:s3], [sflag:s2] =	dma.local @!p0 [hbm:s0], s1  }
0x41: {  	s0 =	simm.s32 @!p0 $0x1  }
0x42: {  	_ =	swait.ge @!p0 [sflag:s0], s1  }
0x43: {  	s1 =	ssub.s32 @!p0 $0x0, s1;
	[sflag:s0] =	ssyncset.done @!p0 $0x0  }
0x44: {  	[sflag:s0] =	ssyncadd.s32 @!p0 s1  }
0x45: {  	[bflag:$0x3] =	sbarrier.arrive $0xFFFF  }
0x46: {  	_ =	shalt  }

// kernel: kernel.13.cloned.1.call-start
scs
__scs_entry_jumppad:
0x0: {  	(pc) =	sbr.rel $0x88, $3  }
0x1: {  	(tag) =	ssettag $0x0;
	lr =	simm.s32 $0x1  }
0x2: {  	[smem:$0x3F96] =	sst lr;
	_ =	strace $0xD0000000  }
0x3: {  	_ = 	snop  }
0x4: {  	_ = 	snop  }
0x5: {  	_ = 	snop  }
0x6: {  	_ = 	snop  }
0x7: {  	_ = 	snop  }
__scs_overlays_trampoline_lowered:
0x8: {  	[smem:$0x3FA5] =	sst s0  }
0x9: {  	[smem:$0x3FA6] =	sst s1  }
0xa: {  	[smem:$0x3FA7] =	sst s2  }
0xb: {  	[smem:$0x3FA8] =	sst s3  }
0xc: {  	[smem:$0x3FA9] =	sst s4  }
0xd: {  	[smem:$0x3FAA] =	sst s5  }
0xe: {  	[smem:$0x3FAB] =	sst s6  }
0xf: {  	[smem:$0x3FAC] =	sst s7  }
0x10: {  	[smem:$0x3FAD] =	sst s8  }
0x11: {  	[smem:$0x3FAE] =	sst s9;
	s0 =	simm.s32 @!p0 $0x0  }
0x12: {  	s1 =	sld [smem:$0x3F94];
	s0 =	simm.s32 @p0 $0x1  }
0x13: {  	[smem:$0x3FAF] =	sst s0;
	s0 =	simm.s32 @!p1 $0x0  }
0x14: {  	s2 =	sld [smem:$0x3F93];
	s0 =	simm.s32 @p1 $0x1  }
0x15: {  	[smem:$0x3FB0] =	sst s0;
	s0 =	simm.s32 @!p2 $0x0  }
0x16: {  	s3 =	sld [smem:$0x3FDB];
	s0 =	simm.s32 @p2 $0x1  }
0x17: {  	s4 =	simm.s32 $0x1BF5;
	[smem:$0x3FB2] =	sst s0  }
0x18: {  	s0 =	sld [smem:$0x3F95];
	_ =	swait.ge [sflag:s4], $0x0  }
0x19: {  	s7 =	sld [smem:$0x3F96]  }
0x1a: {  	s8 =	sadd.s32 $0xFFFFE003, lr  }
0x1b: {  	s9 =	sadd.s32 $0xFFFFFEF7, lr;
	s5 =	simm.s32 $0xFFFFFFFF;
	p2 =	slt.u32 s8, $0xFFFFF086  }
0x1c: {  	p1 =	slt.u32 s9, $0xF7A;
	s5 =	simm.s32 @!p2 $0x0  }
0x1d: {  	s5 =	simm.s32 @p1 $0x1;
	p0 =	seq.s32 s7, s2  }
0x1e: {  	s7 =	smul.u32 @!p0 $0xF7A, s2;
	p2 =	seq.s32 @!p0 s5, $0x0  }
0x1f: {  	s9 =	smul.u32 $0xF7A, s1;
	s8 =	simm.s32 @!p0 $0x1BF5;
	p2 =	por !p2, p0  }
0x20: {  	[sflag:s8] =	ssyncset.s32 @!p0 $0xFFFFF086;
	s6 =	sadd.s32 @!p0 s3, s7;
	s7 =	simm.s32 @!p0 $0x108  }
0x21: {  	s3 =	sadd.s32 s3, s9;
	s6 =	sadd.s32 @!p0 $0x88, s6;
	s7 =	simm.s32 @p2 $0x1082  }
0x22: {  	[simem:s7], [sflag:s8] =	dma.local @!p0 [hbm:s6], $0xF7A  }
0x23: {  	s9 =	sor.u32 $0xD0000000, s2;
	s6 =	simm.s32 $0x108;
	_ =	swait.ge @!p0 [sflag:s8], $0x0  }
0x24: {  	s3 =	sadd.s32 $0x88, s3;
	s6 =	simm.s32 @!p1 $0x1082;
	[sflag:s4] =	ssyncset.s32 $0xFFFFF086  }
0x25: {  	[simem:s6], [sflag:s4] =	dma.local [hbm:s3], $0xF7A  }
0x26: {  	[smem:$0x3F96] =	sst s1;
	(tag) =	ssettag s2;
	_ =	strace s9  }
0x27: {  	s1 =	sld [smem:$0x3FA6]  }
0x28: {  	s2 =	sld [smem:$0x3FA7]  }
0x29: {  	s4 =	sld [smem:$0x3FA9]  }
0x2a: {  	p0 =	seq.s32 s5, $0x0;
	s5 =	sld [smem:$0x3FAA]  }
0x2b: {  	s6 =	sld [smem:$0x3FAB]  }
0x2c: {  	s7 =	sld [smem:$0x3FAC]  }
0x2d: {  	s3 =	simm.s32 $0x108;
	s8 =	sld [smem:$0x3FAD]  }
0x2e: {  	s3 =	simm.s32 @!p0 $0x1082;
	s9 =	sld [smem:$0x3FAE]  }
0x2f: {  	lr =	sadd.s32 s0, s3;
	s0 =	sld [smem:$0x3FA5]  }
0x30: {  	s3 =	sld [smem:$0x3FA8]  }
0x31: {  	[smem:$0x3FB1] =	sst s10  }
0x32: {  	s10 =	sld [smem:$0x3FAF];
	_ =	sdelay $0x3  }
0x33: {  	p0 =	seq.s32 s10, $0x1;
	s10 =	sld [smem:$0x3FB1];
	_ =	sdelay $0x3  }
0x34: {  	[smem:$0x3FB1] =	sst s10  }
0x35: {  	s10 =	sld [smem:$0x3FB0];
	_ =	sdelay $0x3  }
0x36: {  	p1 =	seq.s32 s10, $0x1;
	s10 =	sld [smem:$0x3FB1];
	_ =	sdelay $0x3  }
0x37: {  	[smem:$0x3FB1] =	sst s10  }
0x38: {  	s10 =	sld [smem:$0x3FB2]  }
0x39: {  	_ = 	snop;
	(pc) =	sbr.ind lr, $3  }
0x3a: {  	_ = 	snop  }
0x3b: {  	_ = 	snop  }
0x3c: {  	p2 =	seq.s32 s10, $0x1;
	s10 =	sld [smem:$0x3FB1]  }
0x3d: {  	_ =	shalt  }
0x3e: {  	_ =	shalt  }
0x3f: {  	_ =	shalt  }
0x40: {  	_ =	shalt  }
0x41: {  	_ =	shalt  }
0x42: {  	_ =	shalt  }
0x43: {  	_ =	shalt  }
0x44: {  	_ =	shalt  }
0x45: {  	_ =	shalt  }
0x46: {  	_ =	shalt  }
0x47: {  	_ =	shalt  }
0x48: {  	_ =	shalt  }
0x49: {  	_ =	shalt  }
0x4a: {  	_ =	shalt  }
0x4b: {  	_ =	shalt  }
0x4c: {  	_ =	shalt  }
0x4d: {  	_ =	shalt  }
0x4e: {  	_ =	shalt  }
0x4f: {  	_ =	shalt  }
0x50: {  	_ =	shalt  }
0x51: {  	_ =	shalt  }
0x52: {  	_ =	shalt  }
0x53: {  	_ =	shalt  }
0x54: {  	_ =	shalt  }
0x55: {  	_ =	shalt  }
0x56: {  	_ =	shalt  }
0x57: {  	_ =	shalt  }
0x58: {  	_ =	shalt  }
0x59: {  	_ =	shalt  }
0x5a: {  	_ =	shalt  }
0x5b: {  	_ =	shalt  }
0x5c: {  	_ =	shalt  }
0x5d: {  	_ =	shalt  }
0x5e: {  	_ =	shalt  }
0x5f: {  	_ =	shalt  }
0x60: {  	_ =	shalt  }
0x61: {  	_ =	shalt  }
0x62: {  	_ =	shalt  }
0x63: {  	_ =	shalt  }
0x64: {  	_ =	shalt  }
0x65: {  	_ =	shalt  }
0x66: {  	_ =	shalt  }
0x67: {  	_ =	shalt  }
0x68: {  	_ =	shalt  }
0x69: {  	_ =	shalt  }
0x6a: {  	_ =	shalt  }
0x6b: {  	_ =	shalt  }
0x6c: {  	_ =	shalt  }
0x6d: {  	_ =	shalt  }
0x6e: {  	_ =	shalt  }
0x6f: {  	_ =	shalt  }
0x70: {  	_ =	shalt  }
0x71: {  	_ =	shalt  }
0x72: {  	_ =	shalt  }
0x73: {  	_ =	shalt  }
0x74: {  	_ =	shalt  }
0x75: {  	_ =	shalt  }
0x76: {  	_ =	shalt  }
0x77: {  	_ =	shalt  }
0x78: {  	_ =	shalt  }
0x79: {  	_ =	shalt  }
0x7a: {  	_ =	shalt  }
0x7b: {  	_ =	shalt  }
0x7c: {  	_ =	shalt  }
0x7d: {  	_ =	shalt  }
0x7e: {  	_ =	shalt  }
0x7f: {  	_ =	shalt  }
0x80: {  	_ =	shalt  }
0x81: {  	_ =	shalt  }
0x82: {  	_ =	shalt  }
0x83: {  	_ =	shalt  }
0x84: {  	_ =	shalt  }
0x85: {  	_ =	shalt  }
0x86: {  	_ =	shalt  }
0x87: {  	_ =	shalt  }
.Lfunc_end0:
.L_simem_size_0:
called_computation.1_lowered:
.L_overlay_start_0:
0x88: {  	s2 =	sld [smem:$0x3FD9]  }
0x89: {  	s3 =	sld [smem:$0x3FFE];
	_ =	sdelay $0x1  }
0x8a: {  	s1 =	srdreg.scid  }
0x8b: {  	s0 =	sand.u32 $0x1, s1  }
0x8c: {  	s16 =	sshll.u32 s0, $0xA;
	s2 =	sadd.s32 s3, s2  }
0x8d: {  	s2 =	sadd.s32 s2, s16  }
0x8e: {  	[smem:$0x3FBD] =	sst s2  }
0x8f: {  	_ = 	snop  }
0x90: {  	(tm) =	ssettm $0x1  }
0x91: {  	s17 =	sld [smem:$0x3FFB];
	_ =	sdelay $0x3  }
0x92: {  	_ =	strace s17  }
0x93: {  	s2 =	sld [smem:$0x3FFC];
	_ =	sdelay $0x3  }
0x94: {  	_ =	strace s2  }
0x95: {  	s2 =	sld [smem:$0x3FFD];
	_ =	sdelay $0x3  }
0x96: {  	_ =	strace s2  }
0x97: {  	_ =	strace $0x8FFFFFFF  }
0x98: {  	s18 =	sld [smem:$0x3FDB];
	_ =	sdelay $0x1  }
0x99: {  	s19 =	simm.s32 $_scs_section_size  }
0x9a: {  	s4 =	simm.s32 $_size__tile_overlayer_lowered;
	s5 =	simm.s32 $_tile_overlayer_lowered  }
0x9b: {  	s22 =	simm.s32 $0x1BFF;
	s21 =	sshll.u32 s5, $0x1;
	s2 =	sadd.s32 s19, s18  }
0x9c: {  	s6 =	simm.s32 $0x0;
	s20 =	sshll.u32 s4, $0x1;
	s4 =	sadd.s32 s21, s2  }
0x9d: {  	[timem:s6], [sflag:s22] =	dma.local [hbm:s4], s20  }
0x9e: {  	_ =	swait.ge [sflag:s22], s20  }
0x9f: {  	s3 =	ssub.s32 $0x0, s20;
	[sflag:s22] =	ssyncset.done $0x0  }
0xa0: {  	[sflag:s22] =	ssyncadd.s32 s3;
	_ =	sdelay $0x1  }
0xa1: {  	s23 =	simm.s32 $0x1B8B  }
0xa2: {  	_ =	swait.ge [sflag:s23], $0x1  }
0xa3: {  	[sflag:s23] =	ssyncset.done $0x0  }
0xa4: {  	s25 =	simm.s32 $0x1B8E;
	s24 =	sld [smem:$0x3FFE];
	[sflag:s23] =	ssyncadd.s32 $0xFFFFFFFF  }
0xa5: {  	s26 =	simm.s32 $execute0_lowered;
	[smem:$0x3FD2] =	sst s25  }
0xa6: {  	s4 =	sshll.u32 s26, $0x1;
	_ =	strace $0x80000049;
	[dreg:$0x1] =	wrdreg $0xFFFFFFFF  }
0xa7: {  	s28 =	simm.s32 $_size_execute0_lowered;
	s2 =	sadd.s32 s2, s4;
	[dreg:$0x0] =	wrdreg $0x0  }
0xa8: {  	s4 =	sshll.u32 s28, $0x1;
	[dreg:$0x2] =	wrdreg s2  }
0xa9: {  	[dreg:$0x3] =	wrdreg s4  }
0xaa: {  	[dreg:$0x4] =	wrdreg $0xC0  }
0xab: {  	_ =	task [dreg:s6], $0x5FFFF  }
0xac: {  	[dreg:$0x1] =	wrdreg $0xFFFFFFFF  }
0xad: {  	[dreg:$0x0] =	wrdreg $0x60  }
0xae: {  	[dreg:$0x2] =	wrdreg s24  }
0xaf: {  	[dreg:$0x3] =	wrdreg $0x29000  }
0xb0: {  	[dreg:$0x4] =	wrdreg $0x9  }
0xb1: {  	_ =	task.clear_ibuf [dreg:s6], $0x5FFFF;
	_ =	strace $0x90000049  }
0xb2: {  	s29 =	simm.s32 $0x9;
	_ =	strace $0x8000004B  }
0xb3: {  	_ =	swait.ge [sflag:s29], $0x1  }
0xb4: {  	[sflag:s29] =	ssyncadd.s32 $0xFFFFFFFF  }
0xb5: {  	_ =	strace $0x9000004B  }
0xb6: {  	_ =	sfence  }
0xb7: {  	s30 =	sld [smem:$0x0];
	_ =	sdelay $0x2  }
0xb8: {  	s31 =	sshll.u32 s1, $0xD;
	s1 =	sshrl.u32 s1, $0x2  }
0xb9: {  	s3 =	sand.u32 $0x4000, s31;
	s1 =	sadd.s32 s1, s30  }
0xba: {  	s0 =	sor.u32 s3, s0;
	s1 =	sshll.u32 s1, $0x11  }
0xbb: {  	s0 =	sor.u32 s1, s0  }
0xbc: {  	s0 =	sadd.s32 $0x8F2B, s0  }
0xbd: {  	[sflag:s0] =	ssyncadd.remote.s32 $0x1  }
0xbe: {  	_ =	sfence.sel $0xFFFF  }
0xbf: {  	[dreg:$0x0] =	wrdreg $0xFFFFFFFF;
	(pc) =	sbr.abs _section_cstart, $3  }
0xc0: {  	[dreg:$0x1] =	wrdreg $0xFFFFFFFF  }
0xc1: {  	_ =	task.clear_ibuf [dreg:s6], $0x2FFFF;
	_ =	strace $0x9FFFFFFF  }
0xc2: {  	(tm) =	ssettm $0x7FFFFFFF  }
0xc3: {  	_ =	shalt  }
tec
execute0_lowered:
.L_overlay_start_1:
0x0: {  	(tag) =	ssettag $0x1  }
0x1: {  	s1 =	srdreg.scid;
	s6 =	rddreg [dreg:$0x0]  }
0x2: {  	s0 =	stileid.u32;
	s2 =	rddreg [dreg:$0x1]  }
0x3: {  	s3 =	simm.s32 $0x0;
	s13 =	simm.s32 $0x80;
	s4 =	smul.u32 $0x4E20, s0  }
0x4: {  	s14 =	simm.s32 $0x50;
	s15 =	simm.s32 $0x100;
	s9 =	smul.u32 $0x14000, s0  }
0x5: {  	s16 =	simm.s32 $0x1;
	s7 =	sand.u32 $0x1, s1;
	s29 =	smul.u32 $0x50000, s0  }
0x6: {  	s17 =	simm.s32 $0x0;
	s1 =	rddreg [dreg:$0x2];
	s5 =	smul.u32 $0x2710, s7  }
0x7: {  	[smem:$0x7FF] =	sst s3;
	s8 =	smul.u32 $0x140000, s7;
	s7 =	ssub.s32 $0x2, s7  }
0x8: {  	s31 =	sshll.u32 s0, $0x6;
	_ =	strace $0x8000004A;
	s30 =	sshrl.u32 s7, $0x1  }
0x9: {  	s5 =	sadd.s32 s5, s4;
	s4 =	sadd.s32 $0x16C00, s6;
	s8 =	sadd.s32 s9, s8  }
0xa: {  	s9 =	sshrl.u32 s29, $0x2;
	s11 =	ssub.s32 s7, s30;
	s5 =	sshrl.u32 s5, $0x3  }
0xb: {  	s8 =	sshrl.u32 s8, $0x3;
	s12 =	sadd.s32 s9, s2;
	s10 =	sadd.s32 s5, s6  }
0xc: {  	s5 =	sadd.s32 $0x3EC00, s6;
	s8 =	sadd.s32 s8, s6;
	s6 =	sor.u32 $0x1C02, s31  }
0xd: {  	s7 =	sadd.s32 $0x41400, s8;
	s8 =	smax.u32 s11, $0x1;
	s9 =	sadd.s32 $0xCE00, s10  }
0xe: {  	s10 =	sadd.s32 $0x3000, s10;
	s11 =	sshrl.u32 s12, $0x3;
	s12 =	simm.s32 $0x2  }
.LBB2_1:
0xf: {  	[spmem:s11], [sflag:s6] =	dma.local [hbm:s5], $0x2800  }
0x10: {  	_ =	swait.ge [sflag:s12], $0x2800  }
0x11: {  	[sflag:s12] =	ssyncset.done $0x0  }
0x12: {  	[sflag:s12] =	ssyncadd.s32 $0xFFFFD800  }
0x13: {  	s18 =	sadd.s32 $0x0, s10;
	[bflag:$0x0] =	sbarrier.arrive $0xFFFF  }
0x14: {  	[tilespmem:s3], [sflag:$0x2] =	stream.linear.gather [hbm4b:s18+s3], $0x50, $0x38;
	[tilespmem:$0x16900] =	vst v63  }
0x15: {  	_ =	swait.ge [sflag:s12], $0x50  }
0x16: {  	[sflag:s12] =	ssyncset.done $0x0  }
0x17: {  	s31 =	sadd.s32 $0x0, s9;
	[sflag:s12] =	ssyncadd.s32 $0xFFFFFFB0  }
0x18: {  	[tilespmem:s13], [sflag:$0x2] =	stream.linear.gather [hbm4b:s31+s3], $0x50, $0x38;
	[tilespmem:$0x16900] =	vst v63  }
0x19: {  	_ =	swait.ge [sflag:s12], $0x50  }
0x1a: {  	[sflag:s12] =	ssyncset.done $0x0  }
0x1b: {  	[sflag:s12] =	ssyncadd.s32 $0xFFFFFFB0  }
0x1c: {  	[tilespmem:s15], [sflag:$0x1] =	stream.indirect.gather [hbm4b:s4+s14], $0x80, s3, s14, $0xb8;
	[tilespmem:$0x16900] =	vst v63  }
0x1d: {  	_ =	swait.ge [sflag:s16], $0x2800  }
0x1e: {  	[sflag:s16] =	ssyncset.done $0x0  }
0x1f: {  	[sflag:s16] =	ssyncadd.s32 $0xFFFFD800  }
0x20: {  	[spmem:s2] =	stream.indirect.scatter.add.f32 [tilespmem:s15], [sflag:$0x2], $0x80, s13, s14, $0xb8;
	[tilespmem:$0x16900] =	vst v63  }
0x21: {  	_ =	swait.ge [sflag:s12], $0x2800  }
0x22: {  	s19 =	simm.s32 $0x14;
	s18 =	simm.s32 $0xA;
	[sflag:s12] =	ssyncset.done $0x0  }
.LBB2_2:
0x23: {  	s20 =	sadd.s32 s18, s10  }
0x24: {  	[sflag:s12] =	ssyncadd.s32 $0xFFFFD800;
	s21 =	smov.u32 s19;
	s22 =	sadd.s32 $0xA, s19  }
0x25: {  	[tilespmem:s3], [sflag:$0x2] =	stream.linear.gather [hbm4b:s20+s3], $0x50, $0x38;
	[tilespmem:$0x16900] =	vst v63  }
0x26: {  	p0 =	sne.s32 s19, $0x4D8;
	_ =	swait.ge [sflag:s12], $0x50  }
0x27: {  	[sflag:s12] =	ssyncset.done $0x0  }
0x28: {  	s19 =	sadd.s32 s18, s9;
	s18 =	smov.u32 s21;
	[sflag:s12] =	ssyncadd.s32 $0xFFFFFFB0  }
0x29: {  	[tilespmem:s13], [sflag:$0x2] =	stream.linear.gather [hbm4b:s19+s3], $0x50, $0x38;
	[tilespmem:$0x16900] =	vst v63  }
0x2a: {  	_ =	swait.ge [sflag:s12], $0x50  }
0x2b: {  	[sflag:s12] =	ssyncset.done $0x0  }
0x2c: {  	[sflag:s12] =	ssyncadd.s32 $0xFFFFFFB0  }
0x2d: {  	[tilespmem:s15], [sflag:$0x1] =	stream.indirect.gather [hbm4b:s4+s14], $0x80, s3, s14, $0xb8;
	[tilespmem:$0x16900] =	vst v63  }
0x2e: {  	_ =	swait.ge [sflag:s16], $0x2800  }
.Ltmp0:
0x2f: {  	[sflag:s16] =	ssyncset.done $0x0;
	(pc) =	sbr.rel @p0 .LBB2_2-.Ltmp0, $4  }
0x30: {  	[sflag:s16] =	ssyncadd.s32 $0xFFFFD800  }
0x31: {  	[spmem:s2] =	stream.indirect.scatter.add.f32 [tilespmem:s15], [sflag:$0x2], $0x80, s13, s14, $0xb8;
	[tilespmem:$0x16900] =	vst v63  }
0x32: {  	_ =	swait.ge [sflag:s12], $0x2800  }
0x33: {  	s19 =	smov.u32 s22;
	[sflag:s12] =	ssyncset.done $0x0  }
0x34: {  	s19 =	sadd.s32 s18, s10;
	[sflag:s12] =	ssyncadd.s32 $0xFFFFD800  }
0x35: {  	[tilespmem:s3], [sflag:$0x2] =	stream.linear.gather [hbm4b:s19+s3], $0x50, $0x38;
	[tilespmem:$0x16900] =	vst v63  }
0x36: {  	_ =	swait.ge [sflag:s12], $0x50  }
0x37: {  	[sflag:s12] =	ssyncset.done $0x0  }
0x38: {  	s31 =	sadd.s32 s18, s9;
	[sflag:s12] =	ssyncadd.s32 $0xFFFFFFB0  }
0x39: {  	[tilespmem:s13], [sflag:$0x2] =	stream.linear.gather [hbm4b:s31+s3], $0x50, $0x38;
	[tilespmem:$0x16900] =	vst v63  }
0x3a: {  	_ =	swait.ge [sflag:s12], $0x50  }
0x3b: {  	[sflag:s12] =	ssyncset.done $0x0  }
0x3c: {  	[sflag:s12] =	ssyncadd.s32 $0xFFFFFFB0  }
0x3d: {  	[tilespmem:s15], [sflag:$0x1] =	stream.indirect.gather [hbm4b:s4+s14], $0x80, s3, s14, $0xb8;
	[tilespmem:$0x16900] =	vst v63  }
0x3e: {  	_ =	swait.ge [sflag:s16], $0x2800  }
0x3f: {  	[sflag:s16] =	ssyncset.done $0x0  }
0x40: {  	[sflag:s16] =	ssyncadd.s32 $0xFFFFD800  }
0x41: {  	[spmem:s2] =	stream.indirect.scatter.add.f32 [tilespmem:s15], [sflag:$0x2], $0x80, s13, s14, $0xb8;
	[tilespmem:$0x16900] =	vst v63  }
0x42: {  	_ =	swait.ge [sflag:s12], $0x2800  }
0x43: {  	s17 =	sadd.s32 $0x1, s17;
	[sflag:s12] =	ssyncset.done $0x0  }
0x44: {  	p0 =	sne.s32 s17, s8;
	[sflag:s12] =	ssyncadd.s32 $0xFFFFD800  }
.Ltmp1:
0x45: {  	[bflag:$0x0] =	sbarrier.arrive $0xFFFF;
	(pc) =	sbr.rel @p0 .LBB2_1-.Ltmp1, $4  }
0x46: {  	[hbm:s7], [sflag:s6] =	dma.local [spmem:s11], $0x2800  }
0x47: {  	_ =	swait.ge [sflag:s12], $0x2800  }
0x48: {  	[sflag:s12] =	ssyncset.done $0x0  }
0x49: {  	[sflag:s12] =	ssyncadd.s32 $0xFFFFD800  }
0x4a: {  	_ =	sfence.sel $0x180000  }
0x4b: {  	[bflag:$0x0] =	sbarrier.arrive $0xFFFF  }
0x4c: {  	p0 =	sne.s32 s0, $0x0;
	_ =	strace $0x9000004A  }
0x4d: {  	s0 =	sadd.s32 @!p0 $0x100000, s1;
	[bflag:$0x2] =	sbarrier.arrive $0xFFFF  }
0x4e: {  	[sflag:s0] =	ssyncadd.tile.s32 @!p0 $0x1;
	_ =	shalt  }
.Lfunc_end2:
_tile_overlayer_lowered:
.L_overlay_start_2:
0x4f: {  	(tag) =	ssettag $0x2  }
0x50: {  	s0 =	rddreg [dreg:$0x0];
	s2 =	stileid.u32  }
0x51: {  	s1 =	rddreg [dreg:$0x1];
	p0 =	sne.s32 s2, $0x0  }
0x52: {  	s3 =	rddreg [dreg:$0x2];
	[bflag:$0x3] =	sbarrier.arrive $0xFFFF;
	s2 =	simm.s32 @!p0 $0x1C02  }
0x53: {  	[timem:s3], [sflag:s2] =	dma.local @!p0 [hbm:s0], s1  }
0x54: {  	s0 =	simm.s32 @!p0 $0x2  }
0x55: {  	_ =	swait.ge @!p0 [sflag:s0], s1  }
0x56: {  	s1 =	ssub.s32 @!p0 $0x0, s1;
	[sflag:s0] =	ssyncset.done @!p0 $0x0  }
0x57: {  	[sflag:s0] =	ssyncadd.s32 @!p0 s1  }
0x58: {  	[bflag:$0x3] =	sbarrier.arrive $0xFFFF  }
0x59: {  	_ =	shalt  }

// kernel: kernel.16.cloned.1.call-start
scs
__scs_entry_jumppad:
0x0: {  	(pc) =	sbr.rel $0x88, $3  }
0x1: {  	(tag) =	ssettag $0x0;
	lr =	simm.s32 $0x1  }
0x2: {  	[smem:$0x3F96] =	sst lr;
	_ =	strace $0xD0000000  }
0x3: {  	_ = 	snop  }
0x4: {  	_ = 	snop  }
0x5: {  	_ = 	snop  }
0x6: {  	_ = 	snop  }
0x7: {  	_ = 	snop  }
__scs_overlays_trampoline_lowered:
0x8: {  	[smem:$0x3FA5] =	sst s0  }
0x9: {  	[smem:$0x3FA6] =	sst s1  }
0xa: {  	[smem:$0x3FA7] =	sst s2  }
0xb: {  	[smem:$0x3FA8] =	sst s3  }
0xc: {  	[smem:$0x3FA9] =	sst s4  }
0xd: {  	[smem:$0x3FAA] =	sst s5  }
0xe: {  	[smem:$0x3FAB] =	sst s6  }
0xf: {  	[smem:$0x3FAC] =	sst s7  }
0x10: {  	[smem:$0x3FAD] =	sst s8  }
0x11: {  	[smem:$0x3FAE] =	sst s9;
	s0 =	simm.s32 @!p0 $0x0  }
0x12: {  	s1 =	sld [smem:$0x3F94];
	s0 =	simm.s32 @p0 $0x1  }
0x13: {  	[smem:$0x3FAF] =	sst s0;
	s0 =	simm.s32 @!p1 $0x0  }
0x14: {  	s2 =	sld [smem:$0x3F93];
	s0 =	simm.s32 @p1 $0x1  }
0x15: {  	[smem:$0x3FB0] =	sst s0;
	s0 =	simm.s32 @!p2 $0x0  }
0x16: {  	s3 =	sld [smem:$0x3FDB];
	s0 =	simm.s32 @p2 $0x1  }
0x17: {  	s4 =	simm.s32 $0x1BF5;
	[smem:$0x3FB2] =	sst s0  }
0x18: {  	s0 =	sld [smem:$0x3F95];
	_ =	swait.ge [sflag:s4], $0x0  }
0x19: {  	s7 =	sld [smem:$0x3F96]  }
0x1a: {  	s8 =	sadd.s32 $0xFFFFE003, lr  }
0x1b: {  	s9 =	sadd.s32 $0xFFFFFEF7, lr;
	s5 =	simm.s32 $0xFFFFFFFF;
	p2 =	slt.u32 s8, $0xFFFFF086  }
0x1c: {  	p1 =	slt.u32 s9, $0xF7A;
	s5 =	simm.s32 @!p2 $0x0  }
0x1d: {  	s5 =	simm.s32 @p1 $0x1;
	p0 =	seq.s32 s7, s2  }
0x1e: {  	s7 =	smul.u32 @!p0 $0xF7A, s2;
	p2 =	seq.s32 @!p0 s5, $0x0  }
0x1f: {  	s9 =	smul.u32 $0xF7A, s1;
	s8 =	simm.s32 @!p0 $0x1BF5;
	p2 =	por !p2, p0  }
0x20: {  	[sflag:s8] =	ssyncset.s32 @!p0 $0xFFFFF086;
	s6 =	sadd.s32 @!p0 s3, s7;
	s7 =	simm.s32 @!p0 $0x108  }
0x21: {  	s3 =	sadd.s32 s3, s9;
	s6 =	sadd.s32 @!p0 $0x88, s6;
	s7 =	simm.s32 @p2 $0x1082  }
0x22: {  	[simem:s7], [sflag:s8] =	dma.local @!p0 [hbm:s6], $0xF7A  }
0x23: {  	s9 =	sor.u32 $0xD0000000, s2;
	s6 =	simm.s32 $0x108;
	_ =	swait.ge @!p0 [sflag:s8], $0x0  }
0x24: {  	s3 =	sadd.s32 $0x88, s3;
	s6 =	simm.s32 @!p1 $0x1082;
	[sflag:s4] =	ssyncset.s32 $0xFFFFF086  }
0x25: {  	[simem:s6], [sflag:s4] =	dma.local [hbm:s3], $0xF7A  }
0x26: {  	[smem:$0x3F96] =	sst s1;
	(tag) =	ssettag s2;
	_ =	strace s9  }
0x27: {  	s1 =	sld [smem:$0x3FA6]  }
0x28: {  	s2 =	sld [smem:$0x3FA7]  }
0x29: {  	s4 =	sld [smem:$0x3FA9]  }
0x2a: {  	p0 =	seq.s32 s5, $0x0;
	s5 =	sld [smem:$0x3FAA]  }
0x2b: {  	s6 =	sld [smem:$0x3FAB]  }
0x2c: {  	s7 =	sld [smem:$0x3FAC]  }
0x2d: {  	s3 =	simm.s32 $0x108;
	s8 =	sld [smem:$0x3FAD]  }
0x2e: {  	s3 =	simm.s32 @!p0 $0x1082;
	s9 =	sld [smem:$0x3FAE]  }
0x2f: {  	lr =	sadd.s32 s0, s3;
	s0 =	sld [smem:$0x3FA5]  }
0x30: {  	s3 =	sld [smem:$0x3FA8]  }
0x31: {  	[smem:$0x3FB1] =	sst s10  }
0x32: {  	s10 =	sld [smem:$0x3FAF];
	_ =	sdelay $0x3  }
0x33: {  	p0 =	seq.s32 s10, $0x1;
	s10 =	sld [smem:$0x3FB1];
	_ =	sdelay $0x3  }
0x34: {  	[smem:$0x3FB1] =	sst s10  }
0x35: {  	s10 =	sld [smem:$0x3FB0];
	_ =	sdelay $0x3  }
0x36: {  	p1 =	seq.s32 s10, $0x1;
	s10 =	sld [smem:$0x3FB1];
	_ =	sdelay $0x3  }
0x37: {  	[smem:$0x3FB1] =	sst s10  }
0x38: {  	s10 =	sld [smem:$0x3FB2]  }
0x39: {  	_ = 	snop;
	(pc) =	sbr.ind lr, $3  }
0x3a: {  	_ = 	snop  }
0x3b: {  	_ = 	snop  }
0x3c: {  	p2 =	seq.s32 s10, $0x1;
	s10 =	sld [smem:$0x3FB1]  }
0x3d: {  	_ =	shalt  }
0x3e: {  	_ =	shalt  }
0x3f: {  	_ =	shalt  }
0x40: {  	_ =	shalt  }
0x41: {  	_ =	shalt  }
0x42: {  	_ =	shalt  }
0x43: {  	_ =	shalt  }
0x44: {  	_ =	shalt  }
0x45: {  	_ =	shalt  }
0x46: {  	_ =	shalt  }
0x47: {  	_ =	shalt  }
0x48: {  	_ =	shalt  }
0x49: {  	_ =	shalt  }
0x4a: {  	_ =	shalt  }
0x4b: {  	_ =	shalt  }
0x4c: {  	_ =	shalt  }
0x4d: {  	_ =	shalt  }
0x4e: {  	_ =	shalt  }
0x4f: {  	_ =	shalt  }
0x50: {  	_ =	shalt  }
0x51: {  	_ =	shalt  }
0x52: {  	_ =	shalt  }
0x53: {  	_ =	shalt  }
0x54: {  	_ =	shalt  }
0x55: {  	_ =	shalt  }
0x56: {  	_ =	shalt  }
0x57: {  	_ =	shalt  }
0x58: {  	_ =	shalt  }
0x59: {  	_ =	shalt  }
0x5a: {  	_ =	shalt  }
0x5b: {  	_ =	shalt  }
0x5c: {  	_ =	shalt  }
0x5d: {  	_ =	shalt  }
0x5e: {  	_ =	shalt  }
0x5f: {  	_ =	shalt  }
0x60: {  	_ =	shalt  }
0x61: {  	_ =	shalt  }
0x62: {  	_ =	shalt  }
0x63: {  	_ =	shalt  }
0x64: {  	_ =	shalt  }
0x65: {  	_ =	shalt  }
0x66: {  	_ =	shalt  }
0x67: {  	_ =	shalt  }
0x68: {  	_ =	shalt  }
0x69: {  	_ =	shalt  }
0x6a: {  	_ =	shalt  }
0x6b: {  	_ =	shalt  }
0x6c: {  	_ =	shalt  }
0x6d: {  	_ =	shalt  }
0x6e: {  	_ =	shalt  }
0x6f: {  	_ =	shalt  }
0x70: {  	_ =	shalt  }
0x71: {  	_ =	shalt  }
0x72: {  	_ =	shalt  }
0x73: {  	_ =	shalt  }
0x74: {  	_ =	shalt  }
0x75: {  	_ =	shalt  }
0x76: {  	_ =	shalt  }
0x77: {  	_ =	shalt  }
0x78: {  	_ =	shalt  }
0x79: {  	_ =	shalt  }
0x7a: {  	_ =	shalt  }
0x7b: {  	_ =	shalt  }
0x7c: {  	_ =	shalt  }
0x7d: {  	_ =	shalt  }
0x7e: {  	_ =	shalt  }
0x7f: {  	_ =	shalt  }
0x80: {  	_ =	shalt  }
0x81: {  	_ =	shalt  }
0x82: {  	_ =	shalt  }
0x83: {  	_ =	shalt  }
0x84: {  	_ =	shalt  }
0x85: {  	_ =	shalt  }
0x86: {  	_ =	shalt  }
0x87: {  	_ =	shalt  }
.Lfunc_end0:
.L_simem_size_0:
called_computation.2_lowered:
.L_overlay_start_0:
0x88: {  	s2 =	sld [smem:$0x3FD9]  }
0x89: {  	s3 =	sld [smem:$0x3FFE];
	_ =	sdelay $0x1  }
0x8a: {  	s1 =	srdreg.scid  }
0x8b: {  	s0 =	sand.u32 $0x1, s1  }
0x8c: {  	s16 =	sshll.u32 s0, $0xA;
	s2 =	sadd.s32 s3, s2  }
0x8d: {  	s2 =	sadd.s32 s2, s16  }
0x8e: {  	[smem:$0x3FBD] =	sst s2  }
0x8f: {  	_ = 	snop  }
0x90: {  	(tm) =	ssettm $0x1  }
0x91: {  	s17 =	sld [smem:$0x3FFB];
	_ =	sdelay $0x3  }
0x92: {  	_ =	strace s17  }
0x93: {  	s2 =	sld [smem:$0x3FFC];
	_ =	sdelay $0x3  }
0x94: {  	_ =	strace s2  }
0x95: {  	s2 =	sld [smem:$0x3FFD];
	_ =	sdelay $0x3  }
0x96: {  	_ =	strace s2  }
0x97: {  	_ =	strace $0x8FFFFFFF  }
0x98: {  	s18 =	sld [smem:$0x3FDB];
	_ =	sdelay $0x1  }
0x99: {  	s19 =	simm.s32 $_scs_section_size  }
0x9a: {  	s4 =	simm.s32 $_size__tile_overlayer_lowered;
	s5 =	simm.s32 $_tile_overlayer_lowered  }
0x9b: {  	s22 =	simm.s32 $0x1BFF;
	s21 =	sshll.u32 s5, $0x1;
	s2 =	sadd.s32 s19, s18  }
0x9c: {  	s6 =	simm.s32 $0x0;
	s20 =	sshll.u32 s4, $0x1;
	s4 =	sadd.s32 s21, s2  }
0x9d: {  	[timem:s6], [sflag:s22] =	dma.local [hbm:s4], s20  }
0x9e: {  	_ =	swait.ge [sflag:s22], s20  }
0x9f: {  	s3 =	ssub.s32 $0x0, s20;
	[sflag:s22] =	ssyncset.done $0x0  }
0xa0: {  	[sflag:s22] =	ssyncadd.s32 s3;
	_ =	sdelay $0x1  }
0xa1: {  	s23 =	simm.s32 $0x1B8B  }
0xa2: {  	_ =	swait.ge [sflag:s23], $0x1  }
0xa3: {  	[sflag:s23] =	ssyncset.done $0x0  }
0xa4: {  	s25 =	simm.s32 $0x1B8E;
	s24 =	sld [smem:$0x3FFE];
	[sflag:s23] =	ssyncadd.s32 $0xFFFFFFFF  }
0xa5: {  	s26 =	simm.s32 $execute0_lowered;
	[smem:$0x3FD2] =	sst s25  }
0xa6: {  	s4 =	sshll.u32 s26, $0x1;
	_ =	strace $0x8000004C;
	[dreg:$0x1] =	wrdreg $0xFFFFFFFF  }
0xa7: {  	s28 =	simm.s32 $_size_execute0_lowered;
	s2 =	sadd.s32 s2, s4;
	[dreg:$0x0] =	wrdreg $0x0  }
0xa8: {  	s4 =	sshll.u32 s28, $0x1;
	[dreg:$0x2] =	wrdreg s2  }
0xa9: {  	[dreg:$0x3] =	wrdreg s4  }
0xaa: {  	[dreg:$0x4] =	wrdreg $0xC0  }
0xab: {  	_ =	task [dreg:s6], $0x5FFFF  }
0xac: {  	[dreg:$0x1] =	wrdreg $0xFFFFFFFF  }
0xad: {  	[dreg:$0x0] =	wrdreg $0x60  }
0xae: {  	[dreg:$0x2] =	wrdreg s24  }
0xaf: {  	[dreg:$0x3] =	wrdreg $0x29000  }
0xb0: {  	[dreg:$0x4] =	wrdreg $0x9  }
0xb1: {  	_ =	task.clear_ibuf [dreg:s6], $0x5FFFF;
	_ =	strace $0x9000004C  }
0xb2: {  	s29 =	simm.s32 $0x9;
	_ =	strace $0x8000004E  }
0xb3: {  	_ =	swait.ge [sflag:s29], $0x1  }
0xb4: {  	[sflag:s29] =	ssyncadd.s32 $0xFFFFFFFF  }
0xb5: {  	_ =	strace $0x9000004E  }
0xb6: {  	_ =	sfence  }
0xb7: {  	s30 =	sld [smem:$0x0];
	_ =	sdelay $0x2  }
0xb8: {  	s31 =	sshll.u32 s1, $0xD;
	s1 =	sshrl.u32 s1, $0x2  }
0xb9: {  	s3 =	sand.u32 $0x4000, s31;
	s1 =	sadd.s32 s1, s30  }
0xba: {  	s0 =	sor.u32 s3, s0;
	s1 =	sshll.u32 s1, $0x11  }
0xbb: {  	s0 =	sor.u32 s1, s0  }
0xbc: {  	s0 =	sadd.s32 $0x8F2B, s0  }
0xbd: {  	[sflag:s0] =	ssyncadd.remote.s32 $0x1  }
0xbe: {  	_ =	sfence.sel $0xFFFF  }
0xbf: {  	[dreg:$0x0] =	wrdreg $0xFFFFFFFF;
	(pc) =	sbr.abs _section_cstart, $3  }
0xc0: {  	[dreg:$0x1] =	wrdreg $0xFFFFFFFF  }
0xc1: {  	_ =	task.clear_ibuf [dreg:s6], $0x2FFFF;
	_ =	strace $0x9FFFFFFF  }
0xc2: {  	(tm) =	ssettm $0x7FFFFFFF  }
0xc3: {  	_ =	shalt  }
tec
execute0_lowered:
.L_overlay_start_1:
0x0: {  	(tag) =	ssettag $0x1  }
0x1: {  	s1 =	srdreg.scid;
	s6 =	rddreg [dreg:$0x0]  }
0x2: {  	s0 =	stileid.u32;
	s2 =	rddreg [dreg:$0x1]  }
0x3: {  	s3 =	simm.s32 $0x0;
	s13 =	simm.s32 $0x80;
	s4 =	smul.u32 $0x4E20, s0  }
0x4: {  	s14 =	simm.s32 $0x50;
	s15 =	simm.s32 $0x100;
	s9 =	smul.u32 $0x14000, s0  }
0x5: {  	s16 =	simm.s32 $0x1;
	s7 =	sand.u32 $0x1, s1;
	s29 =	smul.u32 $0x50000, s0  }
0x6: {  	s17 =	simm.s32 $0x0;
	s1 =	rddreg [dreg:$0x2];
	s5 =	smul.u32 $0x2710, s7  }
0x7: {  	[smem:$0x7FF] =	sst s3;
	s8 =	smul.u32 $0x140000, s7;
	s7 =	ssub.s32 $0x2, s7  }
0x8: {  	s31 =	sshll.u32 s0, $0x6;
	_ =	strace $0x8000004D;
	s30 =	sshrl.u32 s7, $0x1  }
0x9: {  	s5 =	sadd.s32 s5, s4;
	s4 =	sadd.s32 $0x16C00, s6;
	s8 =	sadd.s32 s9, s8  }
0xa: {  	s9 =	sshrl.u32 s29, $0x2;
	s11 =	ssub.s32 s7, s30;
	s5 =	sshrl.u32 s5, $0x3  }
0xb: {  	s8 =	sshrl.u32 s8, $0x3;
	s12 =	sadd.s32 s9, s2;
	s10 =	sadd.s32 s5, s6  }
0xc: {  	s5 =	sadd.s32 $0x3EC00, s6;
	s8 =	sadd.s32 s8, s6;
	s6 =	sor.u32 $0x1C02, s31  }
0xd: {  	s7 =	sadd.s32 $0x41400, s8;
	s8 =	smax.u32 s11, $0x1;
	s9 =	sadd.s32 $0xCE00, s10  }
0xe: {  	s10 =	sadd.s32 $0x3000, s10;
	s11 =	sshrl.u32 s12, $0x3;
	s12 =	simm.s32 $0x2  }
.LBB2_1:
0xf: {  	[spmem:s11], [sflag:s6] =	dma.local [hbm:s5], $0x2800  }
0x10: {  	_ =	swait.ge [sflag:s12], $0x2800  }
0x11: {  	[sflag:s12] =	ssyncset.done $0x0  }
0x12: {  	[sflag:s12] =	ssyncadd.s32 $0xFFFFD800  }
0x13: {  	s18 =	sadd.s32 $0x0, s10;
	[bflag:$0x0] =	sbarrier.arrive $0xFFFF  }
0x14: {  	[tilespmem:s3], [sflag:$0x2] =	stream.linear.gather [hbm4b:s18+s3], $0x50, $0x38;
	[tilespmem:$0x16900] =	vst v63  }
0x15: {  	_ =	swait.ge [sflag:s12], $0x50  }
0x16: {  	[sflag:s12] =	ssyncset.done $0x0  }
0x17: {  	s31 =	sadd.s32 $0x0, s9;
	[sflag:s12] =	ssyncadd.s32 $0xFFFFFFB0  }
0x18: {  	[tilespmem:s13], [sflag:$0x2] =	stream.linear.gather [hbm4b:s31+s3], $0x50, $0x38;
	[tilespmem:$0x16900] =	vst v63  }
0x19: {  	_ =	swait.ge [sflag:s12], $0x50  }
0x1a: {  	[sflag:s12] =	ssyncset.done $0x0  }
0x1b: {  	[sflag:s12] =	ssyncadd.s32 $0xFFFFFFB0  }
0x1c: {  	[tilespmem:s15], [sflag:$0x1] =	stream.indirect.gather [hbm4b:s4+s14], $0x80, s3, s14, $0xb8;
	[tilespmem:$0x16900] =	vst v63  }
0x1d: {  	_ =	swait.ge [sflag:s16], $0x2800  }
0x1e: {  	[sflag:s16] =	ssyncset.done $0x0  }
0x1f: {  	[sflag:s16] =	ssyncadd.s32 $0xFFFFD800  }
0x20: {  	[spmem:s2] =	stream.indirect.scatter.add.f32 [tilespmem:s15], [sflag:$0x2], $0x80, s13, s14, $0xb8;
	[tilespmem:$0x16900] =	vst v63  }
0x21: {  	_ =	swait.ge [sflag:s12], $0x2800  }
0x22: {  	s19 =	simm.s32 $0x14;
	s18 =	simm.s32 $0xA;
	[sflag:s12] =	ssyncset.done $0x0  }
.LBB2_2:
0x23: {  	s20 =	sadd.s32 s18, s10  }
0x24: {  	[sflag:s12] =	ssyncadd.s32 $0xFFFFD800;
	s21 =	smov.u32 s19;
	s22 =	sadd.s32 $0xA, s19  }
0x25: {  	[tilespmem:s3], [sflag:$0x2] =	stream.linear.gather [hbm4b:s20+s3], $0x50, $0x38;
	[tilespmem:$0x16900] =	vst v63  }
0x26: {  	p0 =	sne.s32 s19, $0x4D8;
	_ =	swait.ge [sflag:s12], $0x50  }
0x27: {  	[sflag:s12] =	ssyncset.done $0x0  }
0x28: {  	s19 =	sadd.s32 s18, s9;
	s18 =	smov.u32 s21;
	[sflag:s12] =	ssyncadd.s32 $0xFFFFFFB0  }
0x29: {  	[tilespmem:s13], [sflag:$0x2] =	stream.linear.gather [hbm4b:s19+s3], $0x50, $0x38;
	[tilespmem:$0x16900] =	vst v63  }
0x2a: {  	_ =	swait.ge [sflag:s12], $0x50  }
0x2b: {  	[sflag:s12] =	ssyncset.done $0x0  }
0x2c: {  	[sflag:s12] =	ssyncadd.s32 $0xFFFFFFB0  }
0x2d: {  	[tilespmem:s15], [sflag:$0x1] =	stream.indirect.gather [hbm4b:s4+s14], $0x80, s3, s14, $0xb8;
	[tilespmem:$0x16900] =	vst v63  }
0x2e: {  	_ =	swait.ge [sflag:s16], $0x2800  }
.Ltmp0:
0x2f: {  	[sflag:s16] =	ssyncset.done $0x0;
	(pc) =	sbr.rel @p0 .LBB2_2-.Ltmp0, $4  }
0x30: {  	[sflag:s16] =	ssyncadd.s32 $0xFFFFD800  }
0x31: {  	[spmem:s2] =	stream.indirect.scatter.add.f32 [tilespmem:s15], [sflag:$0x2], $0x80, s13, s14, $0xb8;
	[tilespmem:$0x16900] =	vst v63  }
0x32: {  	_ =	swait.ge [sflag:s12], $0x2800  }
0x33: {  	s19 =	smov.u32 s22;
	[sflag:s12] =	ssyncset.done $0x0  }
0x34: {  	s19 =	sadd.s32 s18, s10;
	[sflag:s12] =	ssyncadd.s32 $0xFFFFD800  }
0x35: {  	[tilespmem:s3], [sflag:$0x2] =	stream.linear.gather [hbm4b:s19+s3], $0x50, $0x38;
	[tilespmem:$0x16900] =	vst v63  }
0x36: {  	_ =	swait.ge [sflag:s12], $0x50  }
0x37: {  	[sflag:s12] =	ssyncset.done $0x0  }
0x38: {  	s31 =	sadd.s32 s18, s9;
	[sflag:s12] =	ssyncadd.s32 $0xFFFFFFB0  }
0x39: {  	[tilespmem:s13], [sflag:$0x2] =	stream.linear.gather [hbm4b:s31+s3], $0x50, $0x38;
	[tilespmem:$0x16900] =	vst v63  }
0x3a: {  	_ =	swait.ge [sflag:s12], $0x50  }
0x3b: {  	[sflag:s12] =	ssyncset.done $0x0  }
0x3c: {  	[sflag:s12] =	ssyncadd.s32 $0xFFFFFFB0  }
0x3d: {  	[tilespmem:s15], [sflag:$0x1] =	stream.indirect.gather [hbm4b:s4+s14], $0x80, s3, s14, $0xb8;
	[tilespmem:$0x16900] =	vst v63  }
0x3e: {  	_ =	swait.ge [sflag:s16], $0x2800  }
0x3f: {  	[sflag:s16] =	ssyncset.done $0x0  }
0x40: {  	[sflag:s16] =	ssyncadd.s32 $0xFFFFD800  }
0x41: {  	[spmem:s2] =	stream.indirect.scatter.add.f32 [tilespmem:s15], [sflag:$0x2], $0x80, s13, s14, $0xb8;
	[tilespmem:$0x16900] =	vst v63  }
0x42: {  	_ =	swait.ge [sflag:s12], $0x2800  }
0x43: {  	s17 =	sadd.s32 $0x1, s17;
	[sflag:s12] =	ssyncset.done $0x0  }
0x44: {  	p0 =	sne.s32 s17, s8;
	[sflag:s12] =	ssyncadd.s32 $0xFFFFD800  }
.Ltmp1:
0x45: {  	[bflag:$0x0] =	sbarrier.arrive $0xFFFF;
	(pc) =	sbr.rel @p0 .LBB2_1-.Ltmp1, $4  }
0x46: {  	[hbm:s7], [sflag:s6] =	dma.local [spmem:s11], $0x2800  }
0x47: {  	_ =	swait.ge [sflag:s12], $0x2800  }
0x48: {  	[sflag:s12] =	ssyncset.done $0x0  }
0x49: {  	[sflag:s12] =	ssyncadd.s32 $0xFFFFD800  }
0x4a: {  	_ =	sfence.sel $0x180000  }
0x4b: {  	[bflag:$0x0] =	sbarrier.arrive $0xFFFF  }
0x4c: {  	p0 =	sne.s32 s0, $0x0;
	_ =	strace $0x9000004D  }
0x4d: {  	s0 =	sadd.s32 @!p0 $0x100000, s1;
	[bflag:$0x2] =	sbarrier.arrive $0xFFFF  }
0x4e: {  	[sflag:s0] =	ssyncadd.tile.s32 @!p0 $0x1;
	_ =	shalt  }
.Lfunc_end2:
_tile_overlayer_lowered:
.L_overlay_start_2:
0x4f: {  	(tag) =	ssettag $0x2  }
0x50: {  	s0 =	rddreg [dreg:$0x0];
	s2 =	stileid.u32  }
0x51: {  	s1 =	rddreg [dreg:$0x1];
	p0 =	sne.s32 s2, $0x0  }
0x52: {  	s3 =	rddreg [dreg:$0x2];
	[bflag:$0x3] =	sbarrier.arrive $0xFFFF;
	s2 =	simm.s32 @!p0 $0x1C02  }
0x53: {  	[timem:s3], [sflag:s2] =	dma.local @!p0 [hbm:s0], s1  }
0x54: {  	s0 =	simm.s32 @!p0 $0x2  }
0x55: {  	_ =	swait.ge @!p0 [sflag:s0], s1  }
0x56: {  	s1 =	ssub.s32 @!p0 $0x0, s1;
	[sflag:s0] =	ssyncset.done @!p0 $0x0  }
0x57: {  	[sflag:s0] =	ssyncadd.s32 @!p0 s1  }
0x58: {  	[bflag:$0x3] =	sbarrier.arrive $0xFFFF  }
0x59: {  	_ =	shalt  }

// kernel: kernel.19.cloned.1.call-start
scs
__scs_entry_jumppad:
0x0: {  	(pc) =	sbr.rel $0x88, $3  }
0x1: {  	(tag) =	ssettag $0x0;
	lr =	simm.s32 $0x1  }
0x2: {  	[smem:$0x3F96] =	sst lr;
	_ =	strace $0xD0000000  }
0x3: {  	_ = 	snop  }
0x4: {  	_ = 	snop  }
0x5: {  	_ = 	snop  }
0x6: {  	_ = 	snop  }
0x7: {  	_ = 	snop  }
__scs_overlays_trampoline_lowered:
0x8: {  	[smem:$0x3FA5] =	sst s0  }
0x9: {  	[smem:$0x3FA6] =	sst s1  }
0xa: {  	[smem:$0x3FA7] =	sst s2  }
0xb: {  	[smem:$0x3FA8] =	sst s3  }
0xc: {  	[smem:$0x3FA9] =	sst s4  }
0xd: {  	[smem:$0x3FAA] =	sst s5  }
0xe: {  	[smem:$0x3FAB] =	sst s6  }
0xf: {  	[smem:$0x3FAC] =	sst s7  }
0x10: {  	[smem:$0x3FAD] =	sst s8  }
0x11: {  	[smem:$0x3FAE] =	sst s9;
	s0 =	simm.s32 @!p0 $0x0  }
0x12: {  	s1 =	sld [smem:$0x3F94];
	s0 =	simm.s32 @p0 $0x1  }
0x13: {  	[smem:$0x3FAF] =	sst s0;
	s0 =	simm.s32 @!p1 $0x0  }
0x14: {  	s2 =	sld [smem:$0x3F93];
	s0 =	simm.s32 @p1 $0x1  }
0x15: {  	[smem:$0x3FB0] =	sst s0;
	s0 =	simm.s32 @!p2 $0x0  }
0x16: {  	s3 =	sld [smem:$0x3FDB];
	s0 =	simm.s32 @p2 $0x1  }
0x17: {  	s4 =	simm.s32 $0x1BF5;
	[smem:$0x3FB2] =	sst s0  }
0x18: {  	s0 =	sld [smem:$0x3F95];
	_ =	swait.ge [sflag:s4], $0x0  }
0x19: {  	s7 =	sld [smem:$0x3F96]  }
0x1a: {  	s8 =	sadd.s32 $0xFFFFE003, lr  }
0x1b: {  	s9 =	sadd.s32 $0xFFFFFEF7, lr;
	s5 =	simm.s32 $0xFFFFFFFF;
	p2 =	slt.u32 s8, $0xFFFFF086  }
0x1c: {  	p1 =	slt.u32 s9, $0xF7A;
	s5 =	simm.s32 @!p2 $0x0  }
0x1d: {  	s5 =	simm.s32 @p1 $0x1;
	p0 =	seq.s32 s7, s2  }
0x1e: {  	s7 =	smul.u32 @!p0 $0xF7A, s2;
	p2 =	seq.s32 @!p0 s5, $0x0  }
0x1f: {  	s9 =	smul.u32 $0xF7A, s1;
	s8 =	simm.s32 @!p0 $0x1BF5;
	p2 =	por !p2, p0  }
0x20: {  	[sflag:s8] =	ssyncset.s32 @!p0 $0xFFFFF086;
	s6 =	sadd.s32 @!p0 s3, s7;
	s7 =	simm.s32 @!p0 $0x108  }
0x21: {  	s3 =	sadd.s32 s3, s9;
	s6 =	sadd.s32 @!p0 $0x88, s6;
	s7 =	simm.s32 @p2 $0x1082  }
0x22: {  	[simem:s7], [sflag:s8] =	dma.local @!p0 [hbm:s6], $0xF7A  }
0x23: {  	s9 =	sor.u32 $0xD0000000, s2;
	s6 =	simm.s32 $0x108;
	_ =	swait.ge @!p0 [sflag:s8], $0x0  }
0x24: {  	s3 =	sadd.s32 $0x88, s3;
	s6 =	simm.s32 @!p1 $0x1082;
	[sflag:s4] =	ssyncset.s32 $0xFFFFF086  }
0x25: {  	[simem:s6], [sflag:s4] =	dma.local [hbm:s3], $0xF7A  }
0x26: {  	[smem:$0x3F96] =	sst s1;
	(tag) =	ssettag s2;
	_ =	strace s9  }
0x27: {  	s1 =	sld [smem:$0x3FA6]  }
0x28: {  	s2 =	sld [smem:$0x3FA7]  }
0x29: {  	s4 =	sld [smem:$0x3FA9]  }
0x2a: {  	p0 =	seq.s32 s5, $0x0;
	s5 =	sld [smem:$0x3FAA]  }
0x2b: {  	s6 =	sld [smem:$0x3FAB]  }
0x2c: {  	s7 =	sld [smem:$0x3FAC]  }
0x2d: {  	s3 =	simm.s32 $0x108;
	s8 =	sld [smem:$0x3FAD]  }
0x2e: {  	s3 =	simm.s32 @!p0 $0x1082;
	s9 =	sld [smem:$0x3FAE]  }
0x2f: {  	lr =	sadd.s32 s0, s3;
	s0 =	sld [smem:$0x3FA5]  }
0x30: {  	s3 =	sld [smem:$0x3FA8]  }
0x31: {  	[smem:$0x3FB1] =	sst s10  }
0x32: {  	s10 =	sld [smem:$0x3FAF];
	_ =	sdelay $0x3  }
0x33: {  	p0 =	seq.s32 s10, $0x1;
	s10 =	sld [smem:$0x3FB1];
	_ =	sdelay $0x3  }
0x34: {  	[smem:$0x3FB1] =	sst s10  }
0x35: {  	s10 =	sld [smem:$0x3FB0];
	_ =	sdelay $0x3  }
0x36: {  	p1 =	seq.s32 s10, $0x1;
	s10 =	sld [smem:$0x3FB1];
	_ =	sdelay $0x3  }
0x37: {  	[smem:$0x3FB1] =	sst s10  }
0x38: {  	s10 =	sld [smem:$0x3FB2]  }
0x39: {  	_ = 	snop;
	(pc) =	sbr.ind lr, $3  }
0x3a: {  	_ = 	snop  }
0x3b: {  	_ = 	snop  }
0x3c: {  	p2 =	seq.s32 s10, $0x1;
	s10 =	sld [smem:$0x3FB1]  }
0x3d: {  	_ =	shalt  }
0x3e: {  	_ =	shalt  }
0x3f: {  	_ =	shalt  }
0x40: {  	_ =	shalt  }
0x41: {  	_ =	shalt  }
0x42: {  	_ =	shalt  }
0x43: {  	_ =	shalt  }
0x44: {  	_ =	shalt  }
0x45: {  	_ =	shalt  }
0x46: {  	_ =	shalt  }
0x47: {  	_ =	shalt  }
0x48: {  	_ =	shalt  }
0x49: {  	_ =	shalt  }
0x4a: {  	_ =	shalt  }
0x4b: {  	_ =	shalt  }
0x4c: {  	_ =	shalt  }
0x4d: {  	_ =	shalt  }
0x4e: {  	_ =	shalt  }
0x4f: {  	_ =	shalt  }
0x50: {  	_ =	shalt  }
0x51: {  	_ =	shalt  }
0x52: {  	_ =	shalt  }
0x53: {  	_ =	shalt  }
0x54: {  	_ =	shalt  }
0x55: {  	_ =	shalt  }
0x56: {  	_ =	shalt  }
0x57: {  	_ =	shalt  }
0x58: {  	_ =	shalt  }
0x59: {  	_ =	shalt  }
0x5a: {  	_ =	shalt  }
0x5b: {  	_ =	shalt  }
0x5c: {  	_ =	shalt  }
0x5d: {  	_ =	shalt  }
0x5e: {  	_ =	shalt  }
0x5f: {  	_ =	shalt  }
0x60: {  	_ =	shalt  }
0x61: {  	_ =	shalt  }
0x62: {  	_ =	shalt  }
0x63: {  	_ =	shalt  }
0x64: {  	_ =	shalt  }
0x65: {  	_ =	shalt  }
0x66: {  	_ =	shalt  }
0x67: {  	_ =	shalt  }
0x68: {  	_ =	shalt  }
0x69: {  	_ =	shalt  }
0x6a: {  	_ =	shalt  }
0x6b: {  	_ =	shalt  }
0x6c: {  	_ =	shalt  }
0x6d: {  	_ =	shalt  }
0x6e: {  	_ =	shalt  }
0x6f: {  	_ =	shalt  }
0x70: {  	_ =	shalt  }
0x71: {  	_ =	shalt  }
0x72: {  	_ =	shalt  }
0x73: {  	_ =	shalt  }
0x74: {  	_ =	shalt  }
0x75: {  	_ =	shalt  }
0x76: {  	_ =	shalt  }
0x77: {  	_ =	shalt  }
0x78: {  	_ =	shalt  }
0x79: {  	_ =	shalt  }
0x7a: {  	_ =	shalt  }
0x7b: {  	_ =	shalt  }
0x7c: {  	_ =	shalt  }
0x7d: {  	_ =	shalt  }
0x7e: {  	_ =	shalt  }
0x7f: {  	_ =	shalt  }
0x80: {  	_ =	shalt  }
0x81: {  	_ =	shalt  }
0x82: {  	_ =	shalt  }
0x83: {  	_ =	shalt  }
0x84: {  	_ =	shalt  }
0x85: {  	_ =	shalt  }
0x86: {  	_ =	shalt  }
0x87: {  	_ =	shalt  }
.Lfunc_end0:
.L_simem_size_0:
called_computation.3_lowered:
.L_overlay_start_0:
0x88: {  	s2 =	sld [smem:$0x3FD9]  }
0x89: {  	s3 =	sld [smem:$0x3FFE];
	_ =	sdelay $0x1  }
0x8a: {  	s1 =	srdreg.scid  }
0x8b: {  	s0 =	sand.u32 $0x1, s1  }
0x8c: {  	s16 =	sshll.u32 s0, $0xA;
	s2 =	sadd.s32 s3, s2  }
0x8d: {  	s2 =	sadd.s32 s2, s16  }
0x8e: {  	[smem:$0x3FBD] =	sst s2  }
0x8f: {  	_ = 	snop  }
0x90: {  	(tm) =	ssettm $0x1  }
0x91: {  	s17 =	sld [smem:$0x3FFB];
	_ =	sdelay $0x3  }
0x92: {  	_ =	strace s17  }
0x93: {  	s2 =	sld [smem:$0x3FFC];
	_ =	sdelay $0x3  }
0x94: {  	_ =	strace s2  }
0x95: {  	s2 =	sld [smem:$0x3FFD];
	_ =	sdelay $0x3  }
0x96: {  	_ =	strace s2  }
0x97: {  	_ =	strace $0x8FFFFFFF  }
0x98: {  	s18 =	sld [smem:$0x3FDB];
	_ =	sdelay $0x1  }
0x99: {  	s19 =	simm.s32 $_scs_section_size  }
0x9a: {  	s4 =	simm.s32 $_size__tile_overlayer_lowered;
	s5 =	simm.s32 $_tile_overlayer_lowered  }
0x9b: {  	s22 =	simm.s32 $0x1BFF;
	s21 =	sshll.u32 s5, $0x1;
	s2 =	sadd.s32 s19, s18  }
0x9c: {  	s6 =	simm.s32 $0x0;
	s20 =	sshll.u32 s4, $0x1;
	s4 =	sadd.s32 s21, s2  }
0x9d: {  	[timem:s6], [sflag:s22] =	dma.local [hbm:s4], s20  }
0x9e: {  	_ =	swait.ge [sflag:s22], s20  }
0x9f: {  	s3 =	ssub.s32 $0x0, s20;
	[sflag:s22] =	ssyncset.done $0x0  }
0xa0: {  	[sflag:s22] =	ssyncadd.s32 s3;
	_ =	sdelay $0x1  }
0xa1: {  	s23 =	simm.s32 $0x1B8B  }
0xa2: {  	_ =	swait.ge [sflag:s23], $0x1  }
0xa3: {  	[sflag:s23] =	ssyncset.done $0x0  }
0xa4: {  	s25 =	simm.s32 $0x1B8E;
	s24 =	sld [smem:$0x3FFE];
	[sflag:s23] =	ssyncadd.s32 $0xFFFFFFFF  }
0xa5: {  	s26 =	simm.s32 $execute0_lowered;
	[smem:$0x3FD2] =	sst s25  }
0xa6: {  	s4 =	sshll.u32 s26, $0x1;
	_ =	strace $0x8000004F;
	[dreg:$0x1] =	wrdreg $0xFFFFFFFF  }
0xa7: {  	s28 =	simm.s32 $_size_execute0_lowered;
	s2 =	sadd.s32 s2, s4;
	[dreg:$0x0] =	wrdreg $0x0  }
0xa8: {  	s4 =	sshll.u32 s28, $0x1;
	[dreg:$0x2] =	wrdreg s2  }
0xa9: {  	[dreg:$0x3] =	wrdreg s4  }
0xaa: {  	[dreg:$0x4] =	wrdreg $0xC0  }
0xab: {  	_ =	task [dreg:s6], $0x5FFFF  }
0xac: {  	[dreg:$0x1] =	wrdreg $0xFFFFFFFF  }
0xad: {  	[dreg:$0x0] =	wrdreg $0x60  }
0xae: {  	[dreg:$0x2] =	wrdreg s24  }
0xaf: {  	[dreg:$0x3] =	wrdreg $0x29000  }
0xb0: {  	[dreg:$0x4] =	wrdreg $0x9  }
0xb1: {  	_ =	task.clear_ibuf [dreg:s6], $0x5FFFF;
	_ =	strace $0x9000004F  }
0xb2: {  	s29 =	simm.s32 $0x9;
	_ =	strace $0x80000051  }
0xb3: {  	_ =	swait.ge [sflag:s29], $0x1  }
0xb4: {  	[sflag:s29] =	ssyncadd.s32 $0xFFFFFFFF  }
0xb5: {  	_ =	strace $0x90000051  }
0xb6: {  	_ =	sfence  }
0xb7: {  	s30 =	sld [smem:$0x0];
	_ =	sdelay $0x2  }
0xb8: {  	s31 =	sshll.u32 s1, $0xD;
	s1 =	sshrl.u32 s1, $0x2  }
0xb9: {  	s3 =	sand.u32 $0x4000, s31;
	s1 =	sadd.s32 s1, s30  }
0xba: {  	s0 =	sor.u32 s3, s0;
	s1 =	sshll.u32 s1, $0x11  }
0xbb: {  	s0 =	sor.u32 s1, s0  }
0xbc: {  	s0 =	sadd.s32 $0x8F2B, s0  }
0xbd: {  	[sflag:s0] =	ssyncadd.remote.s32 $0x1  }
0xbe: {  	_ =	sfence.sel $0xFFFF  }
0xbf: {  	[dreg:$0x0] =	wrdreg $0xFFFFFFFF;
	(pc) =	sbr.abs _section_cstart, $3  }
0xc0: {  	[dreg:$0x1] =	wrdreg $0xFFFFFFFF  }
0xc1: {  	_ =	task.clear_ibuf [dreg:s6], $0x2FFFF;
	_ =	strace $0x9FFFFFFF  }
0xc2: {  	(tm) =	ssettm $0x7FFFFFFF  }
0xc3: {  	_ =	shalt  }
tec
execute0_lowered:
.L_overlay_start_1:
0x0: {  	(tag) =	ssettag $0x1  }
0x1: {  	s1 =	srdreg.scid;
	s6 =	rddreg [dreg:$0x0]  }
0x2: {  	s0 =	stileid.u32;
	s2 =	rddreg [dreg:$0x1]  }
0x3: {  	s3 =	simm.s32 $0x0;
	s13 =	simm.s32 $0x80;
	s4 =	smul.u32 $0x4E20, s0  }
0x4: {  	s14 =	simm.s32 $0x50;
	s15 =	simm.s32 $0x100;
	s9 =	smul.u32 $0x14000, s0  }
0x5: {  	s16 =	simm.s32 $0x1;
	s7 =	sand.u32 $0x1, s1;
	s29 =	smul.u32 $0x50000, s0  }
0x6: {  	s17 =	simm.s32 $0x0;
	s1 =	rddreg [dreg:$0x2];
	s5 =	smul.u32 $0x2710, s7  }
0x7: {  	[smem:$0x7FF] =	sst s3;
	s8 =	smul.u32 $0x140000, s7;
	s7 =	ssub.s32 $0x2, s7  }
0x8: {  	s31 =	sshll.u32 s0, $0x6;
	_ =	strace $0x80000050;
	s30 =	sshrl.u32 s7, $0x1  }
0x9: {  	s5 =	sadd.s32 s5, s4;
	s4 =	sadd.s32 $0x16C00, s6;
	s8 =	sadd.s32 s9, s8  }
0xa: {  	s9 =	sshrl.u32 s29, $0x2;
	s11 =	ssub.s32 s7, s30;
	s5 =	sshrl.u32 s5, $0x3  }
0xb: {  	s8 =	sshrl.u32 s8, $0x3;
	s12 =	sadd.s32 s9, s2;
	s10 =	sadd.s32 s5, s6  }
0xc: {  	s5 =	sadd.s32 $0x3EC00, s6;
	s8 =	sadd.s32 s8, s6;
	s6 =	sor.u32 $0x1C02, s31  }
0xd: {  	s7 =	sadd.s32 $0x41400, s8;
	s8 =	smax.u32 s11, $0x1;
	s9 =	sadd.s32 $0xCE00, s10  }
0xe: {  	s10 =	sadd.s32 $0x3000, s10;
	s11 =	sshrl.u32 s12, $0x3;
	s12 =	simm.s32 $0x2  }
.LBB2_1:
0xf: {  	[spmem:s11], [sflag:s6] =	dma.local [hbm:s5], $0x2800  }
0x10: {  	_ =	swait.ge [sflag:s12], $0x2800  }
0x11: {  	[sflag:s12] =	ssyncset.done $0x0  }
0x12: {  	[sflag:s12] =	ssyncadd.s32 $0xFFFFD800  }
0x13: {  	s18 =	sadd.s32 $0x0, s10;
	[bflag:$0x0] =	sbarrier.arrive $0xFFFF  }
0x14: {  	[tilespmem:s3], [sflag:$0x2] =	stream.linear.gather [hbm4b:s18+s3], $0x50, $0x38;
	[tilespmem:$0x16900] =	vst v63  }
0x15: {  	_ =	swait.ge [sflag:s12], $0x50  }
0x16: {  	[sflag:s12] =	ssyncset.done $0x0  }
0x17: {  	s31 =	sadd.s32 $0x0, s9;
	[sflag:s12] =	ssyncadd.s32 $0xFFFFFFB0  }
0x18: {  	[tilespmem:s13], [sflag:$0x2] =	stream.linear.gather [hbm4b:s31+s3], $0x50, $0x38;
	[tilespmem:$0x16900] =	vst v63  }
0x19: {  	_ =	swait.ge [sflag:s12], $0x50  }
0x1a: {  	[sflag:s12] =	ssyncset.done $0x0  }
0x1b: {  	[sflag:s12] =	ssyncadd.s32 $0xFFFFFFB0  }
0x1c: {  	[tilespmem:s15], [sflag:$0x1] =	stream.indirect.gather [hbm4b:s4+s14], $0x80, s3, s14, $0xb8;
	[tilespmem:$0x16900] =	vst v63  }
0x1d: {  	_ =	swait.ge [sflag:s16], $0x2800  }
0x1e: {  	[sflag:s16] =	ssyncset.done $0x0  }
0x1f: {  	[sflag:s16] =	ssyncadd.s32 $0xFFFFD800  }
0x20: {  	[spmem:s2] =	stream.indirect.scatter.add.f32 [tilespmem:s15], [sflag:$0x2], $0x80, s13, s14, $0xb8;
	[tilespmem:$0x16900] =	vst v63  }
0x21: {  	_ =	swait.ge [sflag:s12], $0x2800  }
0x22: {  	s19 =	simm.s32 $0x14;
	s18 =	simm.s32 $0xA;
	[sflag:s12] =	ssyncset.done $0x0  }
.LBB2_2:
0x23: {  	s20 =	sadd.s32 s18, s10  }
0x24: {  	[sflag:s12] =	ssyncadd.s32 $0xFFFFD800;
	s21 =	smov.u32 s19;
	s22 =	sadd.s32 $0xA, s19  }
0x25: {  	[tilespmem:s3], [sflag:$0x2] =	stream.linear.gather [hbm4b:s20+s3], $0x50, $0x38;
	[tilespmem:$0x16900] =	vst v63  }
0x26: {  	p0 =	sne.s32 s19, $0x4D8;
	_ =	swait.ge [sflag:s12], $0x50  }
0x27: {  	[sflag:s12] =	ssyncset.done $0x0  }
0x28: {  	s19 =	sadd.s32 s18, s9;
	s18 =	smov.u32 s21;
	[sflag:s12] =	ssyncadd.s32 $0xFFFFFFB0  }
0x29: {  	[tilespmem:s13], [sflag:$0x2] =	stream.linear.gather [hbm4b:s19+s3], $0x50, $0x38;
	[tilespmem:$0x16900] =	vst v63  }
0x2a: {  	_ =	swait.ge [sflag:s12], $0x50  }
0x2b: {  	[sflag:s12] =	ssyncset.done $0x0  }
0x2c: {  	[sflag:s12] =	ssyncadd.s32 $0xFFFFFFB0  }
0x2d: {  	[tilespmem:s15], [sflag:$0x1] =	stream.indirect.gather [hbm4b:s4+s14], $0x80, s3, s14, $0xb8;
	[tilespmem:$0x16900] =	vst v63  }
0x2e: {  	_ =	swait.ge [sflag:s16], $0x2800  }
.Ltmp0:
0x2f: {  	[sflag:s16] =	ssyncset.done $0x0;
	(pc) =	sbr.rel @p0 .LBB2_2-.Ltmp0, $4  }
0x30: {  	[sflag:s16] =	ssyncadd.s32 $0xFFFFD800  }
0x31: {  	[spmem:s2] =	stream.indirect.scatter.add.f32 [tilespmem:s15], [sflag:$0x2], $0x80, s13, s14, $0xb8;
	[tilespmem:$0x16900] =	vst v63  }
0x32: {  	_ =	swait.ge [sflag:s12], $0x2800  }
0x33: {  	s19 =	smov.u32 s22;
	[sflag:s12] =	ssyncset.done $0x0  }
0x34: {  	s19 =	sadd.s32 s18, s10;
	[sflag:s12] =	ssyncadd.s32 $0xFFFFD800  }
0x35: {  	[tilespmem:s3], [sflag:$0x2] =	stream.linear.gather [hbm4b:s19+s3], $0x50, $0x38;
	[tilespmem:$0x16900] =	vst v63  }
0x36: {  	_ =	swait.ge [sflag:s12], $0x50  }
0x37: {  	[sflag:s12] =	ssyncset.done $0x0  }
0x38: {  	s31 =	sadd.s32 s18, s9;
	[sflag:s12] =	ssyncadd.s32 $0xFFFFFFB0  }
0x39: {  	[tilespmem:s13], [sflag:$0x2] =	stream.linear.gather [hbm4b:s31+s3], $0x50, $0x38;
	[tilespmem:$0x16900] =	vst v63  }
0x3a: {  	_ =	swait.ge [sflag:s12], $0x50  }
0x3b: {  	[sflag:s12] =	ssyncset.done $0x0  }
0x3c: {  	[sflag:s12] =	ssyncadd.s32 $0xFFFFFFB0  }
0x3d: {  	[tilespmem:s15], [sflag:$0x1] =	stream.indirect.gather [hbm4b:s4+s14], $0x80, s3, s14, $0xb8;
	[tilespmem:$0x16900] =	vst v63  }
0x3e: {  	_ =	swait.ge [sflag:s16], $0x2800  }
0x3f: {  	[sflag:s16] =	ssyncset.done $0x0  }
0x40: {  	[sflag:s16] =	ssyncadd.s32 $0xFFFFD800  }
0x41: {  	[spmem:s2] =	stream.indirect.scatter.add.f32 [tilespmem:s15], [sflag:$0x2], $0x80, s13, s14, $0xb8;
	[tilespmem:$0x16900] =	vst v63  }
0x42: {  	_ =	swait.ge [sflag:s12], $0x2800  }
0x43: {  	s17 =	sadd.s32 $0x1, s17;
	[sflag:s12] =	ssyncset.done $0x0  }
0x44: {  	p0 =	sne.s32 s17, s8;
	[sflag:s12] =	ssyncadd.s32 $0xFFFFD800  }
.Ltmp1:
0x45: {  	[bflag:$0x0] =	sbarrier.arrive $0xFFFF;
	(pc) =	sbr.rel @p0 .LBB2_1-.Ltmp1, $4  }
0x46: {  	[hbm:s7], [sflag:s6] =	dma.local [spmem:s11], $0x2800  }
0x47: {  	_ =	swait.ge [sflag:s12], $0x2800  }
0x48: {  	[sflag:s12] =	ssyncset.done $0x0  }
0x49: {  	[sflag:s12] =	ssyncadd.s32 $0xFFFFD800  }
0x4a: {  	_ =	sfence.sel $0x180000  }
0x4b: {  	[bflag:$0x0] =	sbarrier.arrive $0xFFFF  }
0x4c: {  	p0 =	sne.s32 s0, $0x0;
	_ =	strace $0x90000050  }
0x4d: {  	s0 =	sadd.s32 @!p0 $0x100000, s1;
	[bflag:$0x2] =	sbarrier.arrive $0xFFFF  }
0x4e: {  	[sflag:s0] =	ssyncadd.tile.s32 @!p0 $0x1;
	_ =	shalt  }
.Lfunc_end2:
_tile_overlayer_lowered:
.L_overlay_start_2:
0x4f: {  	(tag) =	ssettag $0x2  }
0x50: {  	s0 =	rddreg [dreg:$0x0];
	s2 =	stileid.u32  }
0x51: {  	s1 =	rddreg [dreg:$0x1];
	p0 =	sne.s32 s2, $0x0  }
0x52: {  	s3 =	rddreg [dreg:$0x2];
	[bflag:$0x3] =	sbarrier.arrive $0xFFFF;
	s2 =	simm.s32 @!p0 $0x1C02  }
0x53: {  	[timem:s3], [sflag:s2] =	dma.local @!p0 [hbm:s0], s1  }
0x54: {  	s0 =	simm.s32 @!p0 $0x2  }
0x55: {  	_ =	swait.ge @!p0 [sflag:s0], s1  }
0x56: {  	s1 =	ssub.s32 @!p0 $0x0, s1;
	[sflag:s0] =	ssyncset.done @!p0 $0x0  }
0x57: {  	[sflag:s0] =	ssyncadd.s32 @!p0 s1  }
0x58: {  	[bflag:$0x3] =	sbarrier.arrive $0xFFFF  }
0x59: {  	_ =	shalt  }

</sc_bundles>
